<compile_context>
chip_gen: v7x
topology: tpu7x:2x2x1
jax: 0.10.2.dev20260603
libtpu: 0.0.44.dev20260713+nightly
codegen_flags: <defaults>
</compile_context>

<pallas_src>
import functools

import jax
import jax.numpy as jnp
from jax import lax
from jax.experimental import pallas as pl
from jax.experimental.pallas import tpu as pltpu
from jax.experimental.pallas import tpu_sc as plsc

VOCAB = 1000000
EMBED = 64
B_TOTAL = 16384 * 20

_INFO = plsc.get_sparse_core_info()
_NC = _INFO.num_cores
_NS = _INFO.num_subcores
_NW = _NC * _NS
_PER_W = B_TOTAL // _NW
_CHUNK = 640
_NCHUNK = _PER_W // _CHUNK


def _embed_kernel(idx_hbm, table_hbm, out_hbm, idx_v, rows0, rows1, gsem0,
                  gsem1, osem0, osem1):
    wid = lax.axis_index("s") * _NC + lax.axis_index("c")
    base = wid * _PER_W
    pltpu.sync_copy(idx_hbm.at[pl.ds(base, _PER_W)], idx_v)
    rows = (rows0, rows1)
    gsem = (gsem0, gsem1)
    osem = (osem0, osem1)

    def gather(i):
        s = i % 2
        return pltpu.async_copy(
            table_hbm.at[idx_v.at[pl.ds(i * _CHUNK, _CHUNK)]], rows[s], gsem[s])

    def store(i):
        s = i % 2
        return pltpu.async_copy(
            rows[s], out_hbm.at[pl.ds(base + i * _CHUNK, _CHUNK)], osem[s])

    stores = [None, None]
    gather(0)
    for i in range(_NCHUNK):
        s = i % 2
        pltpu.make_async_copy(
            table_hbm.at[idx_v.at[pl.ds(i * _CHUNK, _CHUNK)]], rows[s],
            gsem[s]).wait()
        if i + 1 < _NCHUNK:
            if stores[(i + 1) % 2] is not None:
                stores[(i + 1) % 2].wait()
            gather(i + 1)
        stores[s] = store(i)
    stores[0].wait()
    stores[1].wait()


def _sc_gather(idx_flat, table):
    mesh = plsc.VectorSubcoreMesh(core_axis_name="c", subcore_axis_name="s")
    k = functools.partial(
        pl.kernel,
        mesh=mesh,
        out_type=jax.ShapeDtypeStruct((B_TOTAL, EMBED), jnp.float32),
        scratch_types=[
            pltpu.VMEM((_PER_W,), jnp.int32),
            pltpu.VMEM((_CHUNK, EMBED), jnp.float32),
            pltpu.VMEM((_CHUNK, EMBED), jnp.float32),
            pltpu.SemaphoreType.DMA,
            pltpu.SemaphoreType.DMA,
            pltpu.SemaphoreType.DMA,
            pltpu.SemaphoreType.DMA,
        ],
        compiler_params=pltpu.CompilerParams(use_tc_tiling_on_sc=False),
    )(_embed_kernel)
    return k(idx_flat, table)


def kernel(input_ids, weight):
    idx_flat = input_ids.reshape(-1).astype(jnp.int32)
    out = _sc_gather(idx_flat, weight)
    return out.reshape(input_ids.shape + (EMBED,))

# --- scband reference (transcript-rebuilt; emitter-appended) ---
"""Pipeline reference for scband-embedding-89910845375272 (READ-ONLY COPY).

The authoritative reference and input builder live on the scoring server;
editing this copy changes nothing except your own understanding.
"""

import jax, jax.numpy as jnp
import numpy as np

VOCAB = 1000000
EMBED = 64
INITIALIZER_RANGE = 0.02

def setup_inputs(seed: int = 0) -> dict:
    key = jax.random.key(seed)
    k_w, k_idx = jax.random.split(key)
    weight = jax.random.normal(k_w, (VOCAB, EMBED), dtype=jnp.float32) * INITIALIZER_RANGE
    input_ids = jax.random.randint(k_idx, (16384, 20), 0, VOCAB, dtype=jnp.int64)
    return {"input_ids": input_ids, "weight": weight}

def reference(input_ids, weight):
    # Embedding.embed: weight.take(Vocab, input_ids) -> gather along vocab axis
    input_embeds = jnp.take(weight, input_ids, axis=0)
    return input_embeds

if __name__ == "__main__":
    import jax
    _d = setup_inputs()
    print(jax.jit(kernel)(*tuple(_d.values())))

</pallas_src>

<mosaic_0001>
#map = affine_map<(d0, d1) -> (0)>
#map1 = affine_map<(d0, d1) -> (0, 0)>
module attributes {stable_mosaic.version = 14 : i64} {
  func.func @_embed_kernel(%arg0: i32, %arg1: i32, %arg2: memref<327680xi32, #tpu.memory_space<hbm>>, %arg3: memref<1000000x64xf32, #tpu.memory_space<hbm>>, %arg4: memref<327680x64xf32, #tpu.memory_space<hbm>>, %arg5: memref<10240xi32, #tpu.memory_space<vmem>>, %arg6: memref<640x64xf32, #tpu.memory_space<vmem>>, %arg7: memref<640x64xf32, #tpu.memory_space<vmem>>, %arg8: memref<!tpu.dma_semaphore, #tpu.memory_space<semaphore_mem>>, %arg9: memref<!tpu.dma_semaphore, #tpu.memory_space<semaphore_mem>>, %arg10: memref<!tpu.dma_semaphore, #tpu.memory_space<semaphore_mem>>, %arg11: memref<!tpu.dma_semaphore, #tpu.memory_space<semaphore_mem>>) attributes {dimension_semantics = [#tpu.dimension_semantics<core_parallel>, #tpu.dimension_semantics<subcore_parallel>], iteration_bounds = array<i64: 2, 16>, scalar_prefetch = 0 : i64, scratch_operands = 7 : i64, tpu.core_type = #tpu.core_type<sc_vector_subcore>, window_params = [{transform_indices = #map}, {transform_indices = #map1}, {transform_indices = #map1}]} {
    %mul3A = arith.constant 2 : i32
    %mul3A_0 = arith.muli %arg1, %mul3A : i32
    %add3A = arith.addi %mul3A_0, %arg0 : i32
    %mul3A_1 = arith.constant 10240 : i32
    %mul3A_2 = arith.muli %add3A, %mul3A_1 : i32
    "tpu.region"() ({
      %run_scoped3A = tpu.sem_alloc : memref<!tpu.dma_semaphore, #tpu.memory_space<semaphore_mem>>
      %dma_start3A_321 = tpu.memref_slice %arg2[%mul3A_2] : memref<327680xi32, #tpu.memory_space<hbm>> -> memref<10240xi32, #tpu.memory_space<hbm>>
      %dma_start3A_322 = tpu.memref_slice %arg2[%mul3A_2] : memref<327680xi32, #tpu.memory_space<hbm>> -> memref<10240xi32, #tpu.memory_space<hbm>>
      tpu.enqueue_dma source(%dma_start3A_322 : memref<10240xi32, #tpu.memory_space<hbm>>) target(%arg5 : memref<10240xi32, #tpu.memory_space<vmem>>) target_semaphore(%run_scoped3A : memref<!tpu.dma_semaphore, #tpu.memory_space<semaphore_mem>>)
      %dma_wait3A_323 = tpu.memref_slice %arg2[%mul3A_2] : memref<327680xi32, #tpu.memory_space<hbm>> -> memref<10240xi32, #tpu.memory_space<hbm>>
      %dma_wait3A_324 = tpu.memref_slice %arg2[%mul3A_2] : memref<327680xi32, #tpu.memory_space<hbm>> -> memref<10240xi32, #tpu.memory_space<hbm>>
      tpu.wait_dma2 semaphore(%run_scoped3A : memref<!tpu.dma_semaphore, #tpu.memory_space<semaphore_mem>>) src(%dma_wait3A_324 : memref<10240xi32, #tpu.memory_space<hbm>>) dst(%arg5 : memref<10240xi32, #tpu.memory_space<vmem>>)
      tpu.yield
    }) : () -> ()
    %dma_start3A = arith.constant 0 : i32
    %dma_start3A_3 = tpu.memref_slice %arg5[%dma_start3A] : memref<10240xi32, #tpu.memory_space<vmem>> -> memref<640xi32, #tpu.memory_space<vmem>>
    %dma_start3A_4 = arith.constant 0 : i32
    %dma_start3A_5 = arith.constant 0 : i32
    %dma_start3A_6 = tpu.memref_slice %arg3[%dma_start3A_4, %dma_start3A_5] : memref<1000000x64xf32, #tpu.memory_space<hbm>> -> memref<1000000x64xf32, #tpu.memory_space<hbm>>
    tpu.enqueue_indirect_dma source(%dma_start3A_6 : memref<1000000x64xf32, #tpu.memory_space<hbm>>) target(%arg6 : memref<640x64xf32, #tpu.memory_space<vmem>>) offsets(%dma_start3A_3 : memref<640xi32, #tpu.memory_space<vmem>>) semaphore(%arg8 : memref<!tpu.dma_semaphore, #tpu.memory_space<semaphore_mem>>)
    %dma_wait3A = arith.constant 0 : i32
    %dma_wait3A_7 = tpu.memref_slice %arg5[%dma_wait3A] : memref<10240xi32, #tpu.memory_space<vmem>> -> memref<640xi32, #tpu.memory_space<vmem>>
    %dma_wait3A_8 = arith.constant 0 : i32
    %dma_wait3A_9 = arith.constant 0 : i32
    %dma_wait3A_10 = tpu.memref_slice %arg3[%dma_wait3A_8, %dma_wait3A_9] : memref<1000000x64xf32, #tpu.memory_space<hbm>> -> memref<1000000x64xf32, #tpu.memory_space<hbm>>
    tpu.wait_indirect_dma semaphore(%arg8 : memref<!tpu.dma_semaphore, #tpu.memory_space<semaphore_mem>>) src(%dma_wait3A_10 : memref<1000000x64xf32, #tpu.memory_space<hbm>>) dst(%arg6 : memref<640x64xf32, #tpu.memory_space<vmem>>)
    %dma_start3A_11 = arith.constant 640 : i32
    %dma_start3A_12 = tpu.memref_slice %arg5[%dma_start3A_11] : memref<10240xi32, #tpu.memory_space<vmem>> -> memref<640xi32, #tpu.memory_space<vmem>>
    %dma_start3A_13 = arith.constant 0 : i32
    %dma_start3A_14 = arith.constant 0 : i32
    %dma_start3A_15 = tpu.memref_slice %arg3[%dma_start3A_13, %dma_start3A_14] : memref<1000000x64xf32, #tpu.memory_space<hbm>> -> memref<1000000x64xf32, #tpu.memory_space<hbm>>
    tpu.enqueue_indirect_dma source(%dma_start3A_15 : memref<1000000x64xf32, #tpu.memory_space<hbm>>) target(%arg7 : memref<640x64xf32, #tpu.memory_space<vmem>>) offsets(%dma_start3A_12 : memref<640xi32, #tpu.memory_space<vmem>>) semaphore(%arg9 : memref<!tpu.dma_semaphore, #tpu.memory_space<semaphore_mem>>)
    %add3A_16 = arith.constant 0 : i32
    %add3A_17 = arith.addi %mul3A_2, %add3A_16 : i32
    %dma_start3A_18 = arith.constant 0 : i32
    %dma_start3A_19 = tpu.memref_slice %arg4[%add3A_17, %dma_start3A_18] : memref<327680x64xf32, #tpu.memory_space<hbm>> -> memref<640x64xf32, #tpu.memory_space<hbm>>
    %dma_start3A_20 = arith.constant 0 : i32
    %dma_start3A_21 = tpu.memref_slice %arg4[%add3A_17, %dma_start3A_20] : memref<327680x64xf32, #tpu.memory_space<hbm>> -> memref<640x64xf32, #tpu.memory_space<hbm>>
    tpu.enqueue_dma source(%arg6 : memref<640x64xf32, #tpu.memory_space<vmem>>) target(%dma_start3A_21 : memref<640x64xf32, #tpu.memory_space<hbm>>) target_semaphore(%arg10 : memref<!tpu.dma_semaphore, #tpu.memory_space<semaphore_mem>>)
    %dma_wait3A_22 = arith.constant 640 : i32
    %dma_wait3A_23 = tpu.memref_slice %arg5[%dma_wait3A_22] : memref<10240xi32, #tpu.memory_space<vmem>> -> memref<640xi32, #tpu.memory_space<vmem>>
    %dma_wait3A_24 = arith.constant 0 : i32
    %dma_wait3A_25 = arith.constant 0 : i32
    %dma_wait3A_26 = tpu.memref_slice %arg3[%dma_wait3A_24, %dma_wait3A_25] : memref<1000000x64xf32, #tpu.memory_space<hbm>> -> memref<1000000x64xf32, #tpu.memory_space<hbm>>
    tpu.wait_indirect_dma semaphore(%arg9 : memref<!tpu.dma_semaphore, #tpu.memory_space<semaphore_mem>>) src(%dma_wait3A_26 : memref<1000000x64xf32, #tpu.memory_space<hbm>>) dst(%arg7 : memref<640x64xf32, #tpu.memory_space<vmem>>)
    %dma_wait3A_27 = arith.constant 0 : i32
    %dma_wait3A_28 = tpu.memref_slice %arg4[%add3A_17, %dma_wait3A_27] : memref<327680x64xf32, #tpu.memory_space<hbm>> -> memref<640x64xf32, #tpu.memory_space<hbm>>
    %dma_wait3A_29 = arith.constant 0 : i32
    %dma_wait3A_30 = tpu.memref_slice %arg4[%add3A_17, %dma_wait3A_29] : memref<327680x64xf32, #tpu.memory_space<hbm>> -> memref<640x64xf32, #tpu.memory_space<hbm>>
    tpu.wait_dma2 semaphore(%arg10 : memref<!tpu.dma_semaphore, #tpu.memory_space<semaphore_mem>>) src(%arg6 : memref<640x64xf32, #tpu.memory_space<vmem>>) dst(%dma_wait3A_30 : memref<640x64xf32, #tpu.memory_space<hbm>>)
    %dma_start3A_31 = arith.constant 1280 : i32
    %dma_start3A_32 = tpu.memref_slice %arg5[%dma_start3A_31] : memref<10240xi32, #tpu.memory_space<vmem>> -> memref<640xi32, #tpu.memory_space<vmem>>
    %dma_start3A_33 = arith.constant 0 : i32
    %dma_start3A_34 = arith.constant 0 : i32
    %dma_start3A_35 = tpu.memref_slice %arg3[%dma_start3A_33, %dma_start3A_34] : memref<1000000x64xf32, #tpu.memory_space<hbm>> -> memref<1000000x64xf32, #tpu.memory_space<hbm>>
    tpu.enqueue_indirect_dma source(%dma_start3A_35 : memref<1000000x64xf32, #tpu.memory_space<hbm>>) target(%arg6 : memref<640x64xf32, #tpu.memory_space<vmem>>) offsets(%dma_start3A_32 : memref<640xi32, #tpu.memory_space<vmem>>) semaphore(%arg8 : memref<!tpu.dma_semaphore, #tpu.memory_space<semaphore_mem>>)
    %add3A_36 = arith.constant 640 : i32
    %add3A_37 = arith.addi %mul3A_2, %add3A_36 : i32
    %dma_start3A_38 = arith.constant 0 : i32
    %dma_start3A_39 = tpu.memref_slice %arg4[%add3A_37, %dma_start3A_38] : memref<327680x64xf32, #tpu.memory_space<hbm>> -> memref<640x64xf32, #tpu.memory_space<hbm>>
    %dma_start3A_40 = arith.constant 0 : i32
    %dma_start3A_41 = tpu.memref_slice %arg4[%add3A_37, %dma_start3A_40] : memref<327680x64xf32, #tpu.memory_space<hbm>> -> memref<640x64xf32, #tpu.memory_space<hbm>>
    tpu.enqueue_dma source(%arg7 : memref<640x64xf32, #tpu.memory_space<vmem>>) target(%dma_start3A_41 : memref<640x64xf32, #tpu.memory_space<hbm>>) target_semaphore(%arg11 : memref<!tpu.dma_semaphore, #tpu.memory_space<semaphore_mem>>)
    %dma_wait3A_42 = arith.constant 1280 : i32
    %dma_wait3A_43 = tpu.memref_slice %arg5[%dma_wait3A_42] : memref<10240xi32, #tpu.memory_space<vmem>> -> memref<640xi32, #tpu.memory_space<vmem>>
    %dma_wait3A_44 = arith.constant 0 : i32
    %dma_wait3A_45 = arith.constant 0 : i32
    %dma_wait3A_46 = tpu.memref_slice %arg3[%dma_wait3A_44, %dma_wait3A_45] : memref<1000000x64xf32, #tpu.memory_space<hbm>> -> memref<1000000x64xf32, #tpu.memory_space<hbm>>
    tpu.wait_indirect_dma semaphore(%arg8 : memref<!tpu.dma_semaphore, #tpu.memory_space<semaphore_mem>>) src(%dma_wait3A_46 : memref<1000000x64xf32, #tpu.memory_space<hbm>>) dst(%arg6 : memref<640x64xf32, #tpu.memory_space<vmem>>)
    %dma_wait3A_47 = arith.constant 0 : i32
    %dma_wait3A_48 = tpu.memref_slice %arg4[%add3A_37, %dma_wait3A_47] : memref<327680x64xf32, #tpu.memory_space<hbm>> -> memref<640x64xf32, #tpu.memory_space<hbm>>
    %dma_wait3A_49 = arith.constant 0 : i32
    %dma_wait3A_50 = tpu.memref_slice %arg4[%add3A_37, %dma_wait3A_49] : memref<327680x64xf32, #tpu.memory_space<hbm>> -> memref<640x64xf32, #tpu.memory_space<hbm>>
    tpu.wait_dma2 semaphore(%arg11 : memref<!tpu.dma_semaphore, #tpu.memory_space<semaphore_mem>>) src(%arg7 : memref<640x64xf32, #tpu.memory_space<vmem>>) dst(%dma_wait3A_50 : memref<640x64xf32, #tpu.memory_space<hbm>>)
    %dma_start3A_51 = arith.constant 1920 : i32
    %dma_start3A_52 = tpu.memref_slice %arg5[%dma_start3A_51] : memref<10240xi32, #tpu.memory_space<vmem>> -> memref<640xi32, #tpu.memory_space<vmem>>
    %dma_start3A_53 = arith.constant 0 : i32
    %dma_start3A_54 = arith.constant 0 : i32
    %dma_start3A_55 = tpu.memref_slice %arg3[%dma_start3A_53, %dma_start3A_54] : memref<1000000x64xf32, #tpu.memory_space<hbm>> -> memref<1000000x64xf32, #tpu.memory_space<hbm>>
    tpu.enqueue_indirect_dma source(%dma_start3A_55 : memref<1000000x64xf32, #tpu.memory_space<hbm>>) target(%arg7 : memref<640x64xf32, #tpu.memory_space<vmem>>) offsets(%dma_start3A_52 : memref<640xi32, #tpu.memory_space<vmem>>) semaphore(%arg9 : memref<!tpu.dma_semaphore, #tpu.memory_space<semaphore_mem>>)
    %add3A_56 = arith.constant 1280 : i32
    %add3A_57 = arith.addi %mul3A_2, %add3A_56 : i32
    %dma_start3A_58 = arith.constant 0 : i32
    %dma_start3A_59 = tpu.memref_slice %arg4[%add3A_57, %dma_start3A_58] : memref<327680x64xf32, #tpu.memory_space<hbm>> -> memref<640x64xf32, #tpu.memory_space<hbm>>
    %dma_start3A_60 = arith.constant 0 : i32
    %dma_start3A_61 = tpu.memref_slice %arg4[%add3A_57, %dma_start3A_60] : memref<327680x64xf32, #tpu.memory_space<hbm>> -> memref<640x64xf32, #tpu.memory_space<hbm>>
    tpu.enqueue_dma source(%arg6 : memref<640x64xf32, #tpu.memory_space<vmem>>) target(%dma_start3A_61 : memref<640x64xf32, #tpu.memory_space<hbm>>) target_semaphore(%arg10 : memref<!tpu.dma_semaphore, #tpu.memory_space<semaphore_mem>>)
    %dma_wait3A_62 = arith.constant 1920 : i32
    %dma_wait3A_63 = tpu.memref_slice %arg5[%dma_wait3A_62] : memref<10240xi32, #tpu.memory_space<vmem>> -> memref<640xi32, #tpu.memory_space<vmem>>
    %dma_wait3A_64 = arith.constant 0 : i32
    %dma_wait3A_65 = arith.constant 0 : i32
    %dma_wait3A_66 = tpu.memref_slice %arg3[%dma_wait3A_64, %dma_wait3A_65] : memref<1000000x64xf32, #tpu.memory_space<hbm>> -> memref<1000000x64xf32, #tpu.memory_space<hbm>>
    tpu.wait_indirect_dma semaphore(%arg9 : memref<!tpu.dma_semaphore, #tpu.memory_space<semaphore_mem>>) src(%dma_wait3A_66 : memref<1000000x64xf32, #tpu.memory_space<hbm>>) dst(%arg7 : memref<640x64xf32, #tpu.memory_space<vmem>>)
    %dma_wait3A_67 = arith.constant 0 : i32
    %dma_wait3A_68 = tpu.memref_slice %arg4[%add3A_57, %dma_wait3A_67] : memref<327680x64xf32, #tpu.memory_space<hbm>> -> memref<640x64xf32, #tpu.memory_space<hbm>>
    %dma_wait3A_69 = arith.constant 0 : i32
    %dma_wait3A_70 = tpu.memref_slice %arg4[%add3A_57, %dma_wait3A_69] : memref<327680x64xf32, #tpu.memory_space<hbm>> -> memref<640x64xf32, #tpu.memory_space<hbm>>
    tpu.wait_dma2 semaphore(%arg10 : memref<!tpu.dma_semaphore, #tpu.memory_space<semaphore_mem>>) src(%arg6 : memref<640x64xf32, #tpu.memory_space<vmem>>) dst(%dma_wait3A_70 : memref<640x64xf32, #tpu.memory_space<hbm>>)
    %dma_start3A_71 = arith.constant 2560 : i32
    %dma_start3A_72 = tpu.memref_slice %arg5[%dma_start3A_71] : memref<10240xi32, #tpu.memory_space<vmem>> -> memref<640xi32, #tpu.memory_space<vmem>>
    %dma_start3A_73 = arith.constant 0 : i32
    %dma_start3A_74 = arith.constant 0 : i32
    %dma_start3A_75 = tpu.memref_slice %arg3[%dma_start3A_73, %dma_start3A_74] : memref<1000000x64xf32, #tpu.memory_space<hbm>> -> memref<1000000x64xf32, #tpu.memory_space<hbm>>
    tpu.enqueue_indirect_dma source(%dma_start3A_75 : memref<1000000x64xf32, #tpu.memory_space<hbm>>) target(%arg6 : memref<640x64xf32, #tpu.memory_space<vmem>>) offsets(%dma_start3A_72 : memref<640xi32, #tpu.memory_space<vmem>>) semaphore(%arg8 : memref<!tpu.dma_semaphore, #tpu.memory_space<semaphore_mem>>)
    %add3A_76 = arith.constant 1920 : i32
    %add3A_77 = arith.addi %mul3A_2, %add3A_76 : i32
    %dma_start3A_78 = arith.constant 0 : i32
    %dma_start3A_79 = tpu.memref_slice %arg4[%add3A_77, %dma_start3A_78] : memref<327680x64xf32, #tpu.memory_space<hbm>> -> memref<640x64xf32, #tpu.memory_space<hbm>>
    %dma_start3A_80 = arith.constant 0 : i32
    %dma_start3A_81 = tpu.memref_slice %arg4[%add3A_77, %dma_start3A_80] : memref<327680x64xf32, #tpu.memory_space<hbm>> -> memref<640x64xf32, #tpu.memory_space<hbm>>
    tpu.enqueue_dma source(%arg7 : memref<640x64xf32, #tpu.memory_space<vmem>>) target(%dma_start3A_81 : memref<640x64xf32, #tpu.memory_space<hbm>>) target_semaphore(%arg11 : memref<!tpu.dma_semaphore, #tpu.memory_space<semaphore_mem>>)
    %dma_wait3A_82 = arith.constant 2560 : i32
    %dma_wait3A_83 = tpu.memref_slice %arg5[%dma_wait3A_82] : memref<10240xi32, #tpu.memory_space<vmem>> -> memref<640xi32, #tpu.memory_space<vmem>>
    %dma_wait3A_84 = arith.constant 0 : i32
    %dma_wait3A_85 = arith.constant 0 : i32
    %dma_wait3A_86 = tpu.memref_slice %arg3[%dma_wait3A_84, %dma_wait3A_85] : memref<1000000x64xf32, #tpu.memory_space<hbm>> -> memref<1000000x64xf32, #tpu.memory_space<hbm>>
    tpu.wait_indirect_dma semaphore(%arg8 : memref<!tpu.dma_semaphore, #tpu.memory_space<semaphore_mem>>) src(%dma_wait3A_86 : memref<1000000x64xf32, #tpu.memory_space<hbm>>) dst(%arg6 : memref<640x64xf32, #tpu.memory_space<vmem>>)
    %dma_wait3A_87 = arith.constant 0 : i32
    %dma_wait3A_88 = tpu.memref_slice %arg4[%add3A_77, %dma_wait3A_87] : memref<327680x64xf32, #tpu.memory_space<hbm>> -> memref<640x64xf32, #tpu.memory_space<hbm>>
    %dma_wait3A_89 = arith.constant 0 : i32
    %dma_wait3A_90 = tpu.memref_slice %arg4[%add3A_77, %dma_wait3A_89] : memref<327680x64xf32, #tpu.memory_space<hbm>> -> memref<640x64xf32, #tpu.memory_space<hbm>>
    tpu.wait_dma2 semaphore(%arg11 : memref<!tpu.dma_semaphore, #tpu.memory_space<semaphore_mem>>) src(%arg7 : memref<640x64xf32, #tpu.memory_space<vmem>>) dst(%dma_wait3A_90 : memref<640x64xf32, #tpu.memory_space<hbm>>)
    %dma_start3A_91 = arith.constant 3200 : i32
    %dma_start3A_92 = tpu.memref_slice %arg5[%dma_start3A_91] : memref<10240xi32, #tpu.memory_space<vmem>> -> memref<640xi32, #tpu.memory_space<vmem>>
    %dma_start3A_93 = arith.constant 0 : i32
    %dma_start3A_94 = arith.constant 0 : i32
    %dma_start3A_95 = tpu.memref_slice %arg3[%dma_start3A_93, %dma_start3A_94] : memref<1000000x64xf32, #tpu.memory_space<hbm>> -> memref<1000000x64xf32, #tpu.memory_space<hbm>>
    tpu.enqueue_indirect_dma source(%dma_start3A_95 : memref<1000000x64xf32, #tpu.memory_space<hbm>>) target(%arg7 : memref<640x64xf32, #tpu.memory_space<vmem>>) offsets(%dma_start3A_92 : memref<640xi32, #tpu.memory_space<vmem>>) semaphore(%arg9 : memref<!tpu.dma_semaphore, #tpu.memory_space<semaphore_mem>>)
    %add3A_96 = arith.constant 2560 : i32
    %add3A_97 = arith.addi %mul3A_2, %add3A_96 : i32
    %dma_start3A_98 = arith.constant 0 : i32
    %dma_start3A_99 = tpu.memref_slice %arg4[%add3A_97, %dma_start3A_98] : memref<327680x64xf32, #tpu.memory_space<hbm>> -> memref<640x64xf32, #tpu.memory_space<hbm>>
    %dma_start3A_100 = arith.constant 0 : i32
    %dma_start3A_101 = tpu.memref_slice %arg4[%add3A_97, %dma_start3A_100] : memref<327680x64xf32, #tpu.memory_space<hbm>> -> memref<640x64xf32, #tpu.memory_space<hbm>>
    tpu.enqueue_dma source(%arg6 : memref<640x64xf32, #tpu.memory_space<vmem>>) target(%dma_start3A_101 : memref<640x64xf32, #tpu.memory_space<hbm>>) target_semaphore(%arg10 : memref<!tpu.dma_semaphore, #tpu.memory_space<semaphore_mem>>)
    %dma_wait3A_102 = arith.constant 3200 : i32
    %dma_wait3A_103 = tpu.memref_slice %arg5[%dma_wait3A_102] : memref<10240xi32, #tpu.memory_space<vmem>> -> memref<640xi32, #tpu.memory_space<vmem>>
    %dma_wait3A_104 = arith.constant 0 : i32
    %dma_wait3A_105 = arith.constant 0 : i32
    %dma_wait3A_106 = tpu.memref_slice %arg3[%dma_wait3A_104, %dma_wait3A_105] : memref<1000000x64xf32, #tpu.memory_space<hbm>> -> memref<1000000x64xf32, #tpu.memory_space<hbm>>
    tpu.wait_indirect_dma semaphore(%arg9 : memref<!tpu.dma_semaphore, #tpu.memory_space<semaphore_mem>>) src(%dma_wait3A_106 : memref<1000000x64xf32, #tpu.memory_space<hbm>>) dst(%arg7 : memref<640x64xf32, #tpu.memory_space<vmem>>)
    %dma_wait3A_107 = arith.constant 0 : i32
    %dma_wait3A_108 = tpu.memref_slice %arg4[%add3A_97, %dma_wait3A_107] : memref<327680x64xf32, #tpu.memory_space<hbm>> -> memref<640x64xf32, #tpu.memory_space<hbm>>
    %dma_wait3A_109 = arith.constant 0 : i32
    %dma_wait3A_110 = tpu.memref_slice %arg4[%add3A_97, %dma_wait3A_109] : memref<327680x64xf32, #tpu.memory_space<hbm>> -> memref<640x64xf32, #tpu.memory_space<hbm>>
    tpu.wait_dma2 semaphore(%arg10 : memref<!tpu.dma_semaphore, #tpu.memory_space<semaphore_mem>>) src(%arg6 : memref<640x64xf32, #tpu.memory_space<vmem>>) dst(%dma_wait3A_110 : memref<640x64xf32, #tpu.memory_space<hbm>>)
    %dma_start3A_111 = arith.constant 3840 : i32
    %dma_start3A_112 = tpu.memref_slice %arg5[%dma_start3A_111] : memref<10240xi32, #tpu.memory_space<vmem>> -> memref<640xi32, #tpu.memory_space<vmem>>
    %dma_start3A_113 = arith.constant 0 : i32
    %dma_start3A_114 = arith.constant 0 : i32
    %dma_start3A_115 = tpu.memref_slice %arg3[%dma_start3A_113, %dma_start3A_114] : memref<1000000x64xf32, #tpu.memory_space<hbm>> -> memref<1000000x64xf32, #tpu.memory_space<hbm>>
    tpu.enqueue_indirect_dma source(%dma_start3A_115 : memref<1000000x64xf32, #tpu.memory_space<hbm>>) target(%arg6 : memref<640x64xf32, #tpu.memory_space<vmem>>) offsets(%dma_start3A_112 : memref<640xi32, #tpu.memory_space<vmem>>) semaphore(%arg8 : memref<!tpu.dma_semaphore, #tpu.memory_space<semaphore_mem>>)
    %add3A_116 = arith.constant 3200 : i32
    %add3A_117 = arith.addi %mul3A_2, %add3A_116 : i32
    %dma_start3A_118 = arith.constant 0 : i32
    %dma_start3A_119 = tpu.memref_slice %arg4[%add3A_117, %dma_start3A_118] : memref<327680x64xf32, #tpu.memory_space<hbm>> -> memref<640x64xf32, #tpu.memory_space<hbm>>
    %dma_start3A_120 = arith.constant 0 : i32
    %dma_start3A_121 = tpu.memref_slice %arg4[%add3A_117, %dma_start3A_120] : memref<327680x64xf32, #tpu.memory_space<hbm>> -> memref<640x64xf32, #tpu.memory_space<hbm>>
    tpu.enqueue_dma source(%arg7 : memref<640x64xf32, #tpu.memory_space<vmem>>) target(%dma_start3A_121 : memref<640x64xf32, #tpu.memory_space<hbm>>) target_semaphore(%arg11 : memref<!tpu.dma_semaphore, #tpu.memory_space<semaphore_mem>>)
    %dma_wait3A_122 = arith.constant 3840 : i32
    %dma_wait3A_123 = tpu.memref_slice %arg5[%dma_wait3A_122] : memref<10240xi32, #tpu.memory_space<vmem>> -> memref<640xi32, #tpu.memory_space<vmem>>
    %dma_wait3A_124 = arith.constant 0 : i32
    %dma_wait3A_125 = arith.constant 0 : i32
    %dma_wait3A_126 = tpu.memref_slice %arg3[%dma_wait3A_124, %dma_wait3A_125] : memref<1000000x64xf32, #tpu.memory_space<hbm>> -> memref<1000000x64xf32, #tpu.memory_space<hbm>>
    tpu.wait_indirect_dma semaphore(%arg8 : memref<!tpu.dma_semaphore, #tpu.memory_space<semaphore_mem>>) src(%dma_wait3A_126 : memref<1000000x64xf32, #tpu.memory_space<hbm>>) dst(%arg6 : memref<640x64xf32, #tpu.memory_space<vmem>>)
    %dma_wait3A_127 = arith.constant 0 : i32
    %dma_wait3A_128 = tpu.memref_slice %arg4[%add3A_117, %dma_wait3A_127] : memref<327680x64xf32, #tpu.memory_space<hbm>> -> memref<640x64xf32, #tpu.memory_space<hbm>>
    %dma_wait3A_129 = arith.constant 0 : i32
    %dma_wait3A_130 = tpu.memref_slice %arg4[%add3A_117, %dma_wait3A_129] : memref<327680x64xf32, #tpu.memory_space<hbm>> -> memref<640x64xf32, #tpu.memory_space<hbm>>
    tpu.wait_dma2 semaphore(%arg11 : memref<!tpu.dma_semaphore, #tpu.memory_space<semaphore_mem>>) src(%arg7 : memref<640x64xf32, #tpu.memory_space<vmem>>) dst(%dma_wait3A_130 : memref<640x64xf32, #tpu.memory_space<hbm>>)
    %dma_start3A_131 = arith.constant 4480 : i32
    %dma_start3A_132 = tpu.memref_slice %arg5[%dma_start3A_131] : memref<10240xi32, #tpu.memory_space<vmem>> -> memref<640xi32, #tpu.memory_space<vmem>>
    %dma_start3A_133 = arith.constant 0 : i32
    %dma_start3A_134 = arith.constant 0 : i32
    %dma_start3A_135 = tpu.memref_slice %arg3[%dma_start3A_133, %dma_start3A_134] : memref<1000000x64xf32, #tpu.memory_space<hbm>> -> memref<1000000x64xf32, #tpu.memory_space<hbm>>
    tpu.enqueue_indirect_dma source(%dma_start3A_135 : memref<1000000x64xf32, #tpu.memory_space<hbm>>) target(%arg7 : memref<640x64xf32, #tpu.memory_space<vmem>>) offsets(%dma_start3A_132 : memref<640xi32, #tpu.memory_space<vmem>>) semaphore(%arg9 : memref<!tpu.dma_semaphore, #tpu.memory_space<semaphore_mem>>)
    %add3A_136 = arith.constant 3840 : i32
    %add3A_137 = arith.addi %mul3A_2, %add3A_136 : i32
    %dma_start3A_138 = arith.constant 0 : i32
    %dma_start3A_139 = tpu.memref_slice %arg4[%add3A_137, %dma_start3A_138] : memref<327680x64xf32, #tpu.memory_space<hbm>> -> memref<640x64xf32, #tpu.memory_space<hbm>>
    %dma_start3A_140 = arith.constant 0 : i32
    %dma_start3A_141 = tpu.memref_slice %arg4[%add3A_137, %dma_start3A_140] : memref<327680x64xf32, #tpu.memory_space<hbm>> -> memref<640x64xf32, #tpu.memory_space<hbm>>
    tpu.enqueue_dma source(%arg6 : memref<640x64xf32, #tpu.memory_space<vmem>>) target(%dma_start3A_141 : memref<640x64xf32, #tpu.memory_space<hbm>>) target_semaphore(%arg10 : memref<!tpu.dma_semaphore, #tpu.memory_space<semaphore_mem>>)
    %dma_wait3A_142 = arith.constant 4480 : i32
    %dma_wait3A_143 = tpu.memref_slice %arg5[%dma_wait3A_142] : memref<10240xi32, #tpu.memory_space<vmem>> -> memref<640xi32, #tpu.memory_space<vmem>>
    %dma_wait3A_144 = arith.constant 0 : i32
    %dma_wait3A_145 = arith.constant 0 : i32
    %dma_wait3A_146 = tpu.memref_slice %arg3[%dma_wait3A_144, %dma_wait3A_145] : memref<1000000x64xf32, #tpu.memory_space<hbm>> -> memref<1000000x64xf32, #tpu.memory_space<hbm>>
    tpu.wait_indirect_dma semaphore(%arg9 : memref<!tpu.dma_semaphore, #tpu.memory_space<semaphore_mem>>) src(%dma_wait3A_146 : memref<1000000x64xf32, #tpu.memory_space<hbm>>) dst(%arg7 : memref<640x64xf32, #tpu.memory_space<vmem>>)
    %dma_wait3A_147 = arith.constant 0 : i32
    %dma_wait3A_148 = tpu.memref_slice %arg4[%add3A_137, %dma_wait3A_147] : memref<327680x64xf32, #tpu.memory_space<hbm>> -> memref<640x64xf32, #tpu.memory_space<hbm>>
    %dma_wait3A_149 = arith.constant 0 : i32
    %dma_wait3A_150 = tpu.memref_slice %arg4[%add3A_137, %dma_wait3A_149] : memref<327680x64xf32, #tpu.memory_space<hbm>> -> memref<640x64xf32, #tpu.memory_space<hbm>>
    tpu.wait_dma2 semaphore(%arg10 : memref<!tpu.dma_semaphore, #tpu.memory_space<semaphore_mem>>) src(%arg6 : memref<640x64xf32, #tpu.memory_space<vmem>>) dst(%dma_wait3A_150 : memref<640x64xf32, #tpu.memory_space<hbm>>)
    %dma_start3A_151 = arith.constant 5120 : i32
    %dma_start3A_152 = tpu.memref_slice %arg5[%dma_start3A_151] : memref<10240xi32, #tpu.memory_space<vmem>> -> memref<640xi32, #tpu.memory_space<vmem>>
    %dma_start3A_153 = arith.constant 0 : i32
    %dma_start3A_154 = arith.constant 0 : i32
    %dma_start3A_155 = tpu.memref_slice %arg3[%dma_start3A_153, %dma_start3A_154] : memref<1000000x64xf32, #tpu.memory_space<hbm>> -> memref<1000000x64xf32, #tpu.memory_space<hbm>>
    tpu.enqueue_indirect_dma source(%dma_start3A_155 : memref<1000000x64xf32, #tpu.memory_space<hbm>>) target(%arg6 : memref<640x64xf32, #tpu.memory_space<vmem>>) offsets(%dma_start3A_152 : memref<640xi32, #tpu.memory_space<vmem>>) semaphore(%arg8 : memref<!tpu.dma_semaphore, #tpu.memory_space<semaphore_mem>>)
    %add3A_156 = arith.constant 4480 : i32
    %add3A_157 = arith.addi %mul3A_2, %add3A_156 : i32
    %dma_start3A_158 = arith.constant 0 : i32
    %dma_start3A_159 = tpu.memref_slice %arg4[%add3A_157, %dma_start3A_158] : memref<327680x64xf32, #tpu.memory_space<hbm>> -> memref<640x64xf32, #tpu.memory_space<hbm>>
    %dma_start3A_160 = arith.constant 0 : i32
    %dma_start3A_161 = tpu.memref_slice %arg4[%add3A_157, %dma_start3A_160] : memref<327680x64xf32, #tpu.memory_space<hbm>> -> memref<640x64xf32, #tpu.memory_space<hbm>>
    tpu.enqueue_dma source(%arg7 : memref<640x64xf32, #tpu.memory_space<vmem>>) target(%dma_start3A_161 : memref<640x64xf32, #tpu.memory_space<hbm>>) target_semaphore(%arg11 : memref<!tpu.dma_semaphore, #tpu.memory_space<semaphore_mem>>)
    %dma_wait3A_162 = arith.constant 5120 : i32
    %dma_wait3A_163 = tpu.memref_slice %arg5[%dma_wait3A_162] : memref<10240xi32, #tpu.memory_space<vmem>> -> memref<640xi32, #tpu.memory_space<vmem>>
    %dma_wait3A_164 = arith.constant 0 : i32
    %dma_wait3A_165 = arith.constant 0 : i32
    %dma_wait3A_166 = tpu.memref_slice %arg3[%dma_wait3A_164, %dma_wait3A_165] : memref<1000000x64xf32, #tpu.memory_space<hbm>> -> memref<1000000x64xf32, #tpu.memory_space<hbm>>
    tpu.wait_indirect_dma semaphore(%arg8 : memref<!tpu.dma_semaphore, #tpu.memory_space<semaphore_mem>>) src(%dma_wait3A_166 : memref<1000000x64xf32, #tpu.memory_space<hbm>>) dst(%arg6 : memref<640x64xf32, #tpu.memory_space<vmem>>)
    %dma_wait3A_167 = arith.constant 0 : i32
    %dma_wait3A_168 = tpu.memref_slice %arg4[%add3A_157, %dma_wait3A_167] : memref<327680x64xf32, #tpu.memory_space<hbm>> -> memref<640x64xf32, #tpu.memory_space<hbm>>
    %dma_wait3A_169 = arith.constant 0 : i32
    %dma_wait3A_170 = tpu.memref_slice %arg4[%add3A_157, %dma_wait3A_169] : memref<327680x64xf32, #tpu.memory_space<hbm>> -> memref<640x64xf32, #tpu.memory_space<hbm>>
    tpu.wait_dma2 semaphore(%arg11 : memref<!tpu.dma_semaphore, #tpu.memory_space<semaphore_mem>>) src(%arg7 : memref<640x64xf32, #tpu.memory_space<vmem>>) dst(%dma_wait3A_170 : memref<640x64xf32, #tpu.memory_space<hbm>>)
    %dma_start3A_171 = arith.constant 5760 : i32
    %dma_start3A_172 = tpu.memref_slice %arg5[%dma_start3A_171] : memref<10240xi32, #tpu.memory_space<vmem>> -> memref<640xi32, #tpu.memory_space<vmem>>
    %dma_start3A_173 = arith.constant 0 : i32
    %dma_start3A_174 = arith.constant 0 : i32
    %dma_start3A_175 = tpu.memref_slice %arg3[%dma_start3A_173, %dma_start3A_174] : memref<1000000x64xf32, #tpu.memory_space<hbm>> -> memref<1000000x64xf32, #tpu.memory_space<hbm>>
    tpu.enqueue_indirect_dma source(%dma_start3A_175 : memref<1000000x64xf32, #tpu.memory_space<hbm>>) target(%arg7 : memref<640x64xf32, #tpu.memory_space<vmem>>) offsets(%dma_start3A_172 : memref<640xi32, #tpu.memory_space<vmem>>) semaphore(%arg9 : memref<!tpu.dma_semaphore, #tpu.memory_space<semaphore_mem>>)
    %add3A_176 = arith.constant 5120 : i32
    %add3A_177 = arith.addi %mul3A_2, %add3A_176 : i32
    %dma_start3A_178 = arith.constant 0 : i32
    %dma_start3A_179 = tpu.memref_slice %arg4[%add3A_177, %dma_start3A_178] : memref<327680x64xf32, #tpu.memory_space<hbm>> -> memref<640x64xf32, #tpu.memory_space<hbm>>
    %dma_start3A_180 = arith.constant 0 : i32
    %dma_start3A_181 = tpu.memref_slice %arg4[%add3A_177, %dma_start3A_180] : memref<327680x64xf32, #tpu.memory_space<hbm>> -> memref<640x64xf32, #tpu.memory_space<hbm>>
    tpu.enqueue_dma source(%arg6 : memref<640x64xf32, #tpu.memory_space<vmem>>) target(%dma_start3A_181 : memref<640x64xf32, #tpu.memory_space<hbm>>) target_semaphore(%arg10 : memref<!tpu.dma_semaphore, #tpu.memory_space<semaphore_mem>>)
    %dma_wait3A_182 = arith.constant 5760 : i32
    %dma_wait3A_183 = tpu.memref_slice %arg5[%dma_wait3A_182] : memref<10240xi32, #tpu.memory_space<vmem>> -> memref<640xi32, #tpu.memory_space<vmem>>
    %dma_wait3A_184 = arith.constant 0 : i32
    %dma_wait3A_185 = arith.constant 0 : i32
    %dma_wait3A_186 = tpu.memref_slice %arg3[%dma_wait3A_184, %dma_wait3A_185] : memref<1000000x64xf32, #tpu.memory_space<hbm>> -> memref<1000000x64xf32, #tpu.memory_space<hbm>>
    tpu.wait_indirect_dma semaphore(%arg9 : memref<!tpu.dma_semaphore, #tpu.memory_space<semaphore_mem>>) src(%dma_wait3A_186 : memref<1000000x64xf32, #tpu.memory_space<hbm>>) dst(%arg7 : memref<640x64xf32, #tpu.memory_space<vmem>>)
    %dma_wait3A_187 = arith.constant 0 : i32
    %dma_wait3A_188 = tpu.memref_slice %arg4[%add3A_177, %dma_wait3A_187] : memref<327680x64xf32, #tpu.memory_space<hbm>> -> memref<640x64xf32, #tpu.memory_space<hbm>>
    %dma_wait3A_189 = arith.constant 0 : i32
    %dma_wait3A_190 = tpu.memref_slice %arg4[%add3A_177, %dma_wait3A_189] : memref<327680x64xf32, #tpu.memory_space<hbm>> -> memref<640x64xf32, #tpu.memory_space<hbm>>
    tpu.wait_dma2 semaphore(%arg10 : memref<!tpu.dma_semaphore, #tpu.memory_space<semaphore_mem>>) src(%arg6 : memref<640x64xf32, #tpu.memory_space<vmem>>) dst(%dma_wait3A_190 : memref<640x64xf32, #tpu.memory_space<hbm>>)
    %dma_start3A_191 = arith.constant 6400 : i32
    %dma_start3A_192 = tpu.memref_slice %arg5[%dma_start3A_191] : memref<10240xi32, #tpu.memory_space<vmem>> -> memref<640xi32, #tpu.memory_space<vmem>>
    %dma_start3A_193 = arith.constant 0 : i32
    %dma_start3A_194 = arith.constant 0 : i32
    %dma_start3A_195 = tpu.memref_slice %arg3[%dma_start3A_193, %dma_start3A_194] : memref<1000000x64xf32, #tpu.memory_space<hbm>> -> memref<1000000x64xf32, #tpu.memory_space<hbm>>
    tpu.enqueue_indirect_dma source(%dma_start3A_195 : memref<1000000x64xf32, #tpu.memory_space<hbm>>) target(%arg6 : memref<640x64xf32, #tpu.memory_space<vmem>>) offsets(%dma_start3A_192 : memref<640xi32, #tpu.memory_space<vmem>>) semaphore(%arg8 : memref<!tpu.dma_semaphore, #tpu.memory_space<semaphore_mem>>)
    %add3A_196 = arith.constant 5760 : i32
    %add3A_197 = arith.addi %mul3A_2, %add3A_196 : i32
    %dma_start3A_198 = arith.constant 0 : i32
    %dma_start3A_199 = tpu.memref_slice %arg4[%add3A_197, %dma_start3A_198] : memref<327680x64xf32, #tpu.memory_space<hbm>> -> memref<640x64xf32, #tpu.memory_space<hbm>>
    %dma_start3A_200 = arith.constant 0 : i32
    %dma_start3A_201 = tpu.memref_slice %arg4[%add3A_197, %dma_start3A_200] : memref<327680x64xf32, #tpu.memory_space<hbm>> -> memref<640x64xf32, #tpu.memory_space<hbm>>
    tpu.enqueue_dma source(%arg7 : memref<640x64xf32, #tpu.memory_space<vmem>>) target(%dma_start3A_201 : memref<640x64xf32, #tpu.memory_space<hbm>>) target_semaphore(%arg11 : memref<!tpu.dma_semaphore, #tpu.memory_space<semaphore_mem>>)
    %dma_wait3A_202 = arith.constant 6400 : i32
    %dma_wait3A_203 = tpu.memref_slice %arg5[%dma_wait3A_202] : memref<10240xi32, #tpu.memory_space<vmem>> -> memref<640xi32, #tpu.memory_space<vmem>>
    %dma_wait3A_204 = arith.constant 0 : i32
    %dma_wait3A_205 = arith.constant 0 : i32
    %dma_wait3A_206 = tpu.memref_slice %arg3[%dma_wait3A_204, %dma_wait3A_205] : memref<1000000x64xf32, #tpu.memory_space<hbm>> -> memref<1000000x64xf32, #tpu.memory_space<hbm>>
    tpu.wait_indirect_dma semaphore(%arg8 : memref<!tpu.dma_semaphore, #tpu.memory_space<semaphore_mem>>) src(%dma_wait3A_206 : memref<1000000x64xf32, #tpu.memory_space<hbm>>) dst(%arg6 : memref<640x64xf32, #tpu.memory_space<vmem>>)
    %dma_wait3A_207 = arith.constant 0 : i32
    %dma_wait3A_208 = tpu.memref_slice %arg4[%add3A_197, %dma_wait3A_207] : memref<327680x64xf32, #tpu.memory_space<hbm>> -> memref<640x64xf32, #tpu.memory_space<hbm>>
    %dma_wait3A_209 = arith.constant 0 : i32
    %dma_wait3A_210 = tpu.memref_slice %arg4[%add3A_197, %dma_wait3A_209] : memref<327680x64xf32, #tpu.memory_space<hbm>> -> memref<640x64xf32, #tpu.memory_space<hbm>>
    tpu.wait_dma2 semaphore(%arg11 : memref<!tpu.dma_semaphore, #tpu.memory_space<semaphore_mem>>) src(%arg7 : memref<640x64xf32, #tpu.memory_space<vmem>>) dst(%dma_wait3A_210 : memref<640x64xf32, #tpu.memory_space<hbm>>)
    %dma_start3A_211 = arith.constant 7040 : i32
    %dma_start3A_212 = tpu.memref_slice %arg5[%dma_start3A_211] : memref<10240xi32, #tpu.memory_space<vmem>> -> memref<640xi32, #tpu.memory_space<vmem>>
    %dma_start3A_213 = arith.constant 0 : i32
    %dma_start3A_214 = arith.constant 0 : i32
    %dma_start3A_215 = tpu.memref_slice %arg3[%dma_start3A_213, %dma_start3A_214] : memref<1000000x64xf32, #tpu.memory_space<hbm>> -> memref<1000000x64xf32, #tpu.memory_space<hbm>>
    tpu.enqueue_indirect_dma source(%dma_start3A_215 : memref<1000000x64xf32, #tpu.memory_space<hbm>>) target(%arg7 : memref<640x64xf32, #tpu.memory_space<vmem>>) offsets(%dma_start3A_212 : memref<640xi32, #tpu.memory_space<vmem>>) semaphore(%arg9 : memref<!tpu.dma_semaphore, #tpu.memory_space<semaphore_mem>>)
    %add3A_216 = arith.constant 6400 : i32
    %add3A_217 = arith.addi %mul3A_2, %add3A_216 : i32
    %dma_start3A_218 = arith.constant 0 : i32
    %dma_start3A_219 = tpu.memref_slice %arg4[%add3A_217, %dma_start3A_218] : memref<327680x64xf32, #tpu.memory_space<hbm>> -> memref<640x64xf32, #tpu.memory_space<hbm>>
    %dma_start3A_220 = arith.constant 0 : i32
    %dma_start3A_221 = tpu.memref_slice %arg4[%add3A_217, %dma_start3A_220] : memref<327680x64xf32, #tpu.memory_space<hbm>> -> memref<640x64xf32, #tpu.memory_space<hbm>>
    tpu.enqueue_dma source(%arg6 : memref<640x64xf32, #tpu.memory_space<vmem>>) target(%dma_start3A_221 : memref<640x64xf32, #tpu.memory_space<hbm>>) target_semaphore(%arg10 : memref<!tpu.dma_semaphore, #tpu.memory_space<semaphore_mem>>)
    %dma_wait3A_222 = arith.constant 7040 : i32
    %dma_wait3A_223 = tpu.memref_slice %arg5[%dma_wait3A_222] : memref<10240xi32, #tpu.memory_space<vmem>> -> memref<640xi32, #tpu.memory_space<vmem>>
    %dma_wait3A_224 = arith.constant 0 : i32
    %dma_wait3A_225 = arith.constant 0 : i32
    %dma_wait3A_226 = tpu.memref_slice %arg3[%dma_wait3A_224, %dma_wait3A_225] : memref<1000000x64xf32, #tpu.memory_space<hbm>> -> memref<1000000x64xf32, #tpu.memory_space<hbm>>
    tpu.wait_indirect_dma semaphore(%arg9 : memref<!tpu.dma_semaphore, #tpu.memory_space<semaphore_mem>>) src(%dma_wait3A_226 : memref<1000000x64xf32, #tpu.memory_space<hbm>>) dst(%arg7 : memref<640x64xf32, #tpu.memory_space<vmem>>)
    %dma_wait3A_227 = arith.constant 0 : i32
    %dma_wait3A_228 = tpu.memref_slice %arg4[%add3A_217, %dma_wait3A_227] : memref<327680x64xf32, #tpu.memory_space<hbm>> -> memref<640x64xf32, #tpu.memory_space<hbm>>
    %dma_wait3A_229 = arith.constant 0 : i32
    %dma_wait3A_230 = tpu.memref_slice %arg4[%add3A_217, %dma_wait3A_229] : memref<327680x64xf32, #tpu.memory_space<hbm>> -> memref<640x64xf32, #tpu.memory_space<hbm>>
    tpu.wait_dma2 semaphore(%arg10 : memref<!tpu.dma_semaphore, #tpu.memory_space<semaphore_mem>>) src(%arg6 : memref<640x64xf32, #tpu.memory_space<vmem>>) dst(%dma_wait3A_230 : memref<640x64xf32, #tpu.memory_space<hbm>>)
    %dma_start3A_231 = arith.constant 7680 : i32
    %dma_start3A_232 = tpu.memref_slice %arg5[%dma_start3A_231] : memref<10240xi32, #tpu.memory_space<vmem>> -> memref<640xi32, #tpu.memory_space<vmem>>
    %dma_start3A_233 = arith.constant 0 : i32
    %dma_start3A_234 = arith.constant 0 : i32
    %dma_start3A_235 = tpu.memref_slice %arg3[%dma_start3A_233, %dma_start3A_234] : memref<1000000x64xf32, #tpu.memory_space<hbm>> -> memref<1000000x64xf32, #tpu.memory_space<hbm>>
    tpu.enqueue_indirect_dma source(%dma_start3A_235 : memref<1000000x64xf32, #tpu.memory_space<hbm>>) target(%arg6 : memref<640x64xf32, #tpu.memory_space<vmem>>) offsets(%dma_start3A_232 : memref<640xi32, #tpu.memory_space<vmem>>) semaphore(%arg8 : memref<!tpu.dma_semaphore, #tpu.memory_space<semaphore_mem>>)
    %add3A_236 = arith.constant 7040 : i32
    %add3A_237 = arith.addi %mul3A_2, %add3A_236 : i32
    %dma_start3A_238 = arith.constant 0 : i32
    %dma_start3A_239 = tpu.memref_slice %arg4[%add3A_237, %dma_start3A_238] : memref<327680x64xf32, #tpu.memory_space<hbm>> -> memref<640x64xf32, #tpu.memory_space<hbm>>
    %dma_start3A_240 = arith.constant 0 : i32
    %dma_start3A_241 = tpu.memref_slice %arg4[%add3A_237, %dma_start3A_240] : memref<327680x64xf32, #tpu.memory_space<hbm>> -> memref<640x64xf32, #tpu.memory_space<hbm>>
    tpu.enqueue_dma source(%arg7 : memref<640x64xf32, #tpu.memory_space<vmem>>) target(%dma_start3A_241 : memref<640x64xf32, #tpu.memory_space<hbm>>) target_semaphore(%arg11 : memref<!tpu.dma_semaphore, #tpu.memory_space<semaphore_mem>>)
    %dma_wait3A_242 = arith.constant 7680 : i32
    %dma_wait3A_243 = tpu.memref_slice %arg5[%dma_wait3A_242] : memref<10240xi32, #tpu.memory_space<vmem>> -> memref<640xi32, #tpu.memory_space<vmem>>
    %dma_wait3A_244 = arith.constant 0 : i32
    %dma_wait3A_245 = arith.constant 0 : i32
    %dma_wait3A_246 = tpu.memref_slice %arg3[%dma_wait3A_244, %dma_wait3A_245] : memref<1000000x64xf32, #tpu.memory_space<hbm>> -> memref<1000000x64xf32, #tpu.memory_space<hbm>>
    tpu.wait_indirect_dma semaphore(%arg8 : memref<!tpu.dma_semaphore, #tpu.memory_space<semaphore_mem>>) src(%dma_wait3A_246 : memref<1000000x64xf32, #tpu.memory_space<hbm>>) dst(%arg6 : memref<640x64xf32, #tpu.memory_space<vmem>>)
    %dma_wait3A_247 = arith.constant 0 : i32
    %dma_wait3A_248 = tpu.memref_slice %arg4[%add3A_237, %dma_wait3A_247] : memref<327680x64xf32, #tpu.memory_space<hbm>> -> memref<640x64xf32, #tpu.memory_space<hbm>>
    %dma_wait3A_249 = arith.constant 0 : i32
    %dma_wait3A_250 = tpu.memref_slice %arg4[%add3A_237, %dma_wait3A_249] : memref<327680x64xf32, #tpu.memory_space<hbm>> -> memref<640x64xf32, #tpu.memory_space<hbm>>
    tpu.wait_dma2 semaphore(%arg11 : memref<!tpu.dma_semaphore, #tpu.memory_space<semaphore_mem>>) src(%arg7 : memref<640x64xf32, #tpu.memory_space<vmem>>) dst(%dma_wait3A_250 : memref<640x64xf32, #tpu.memory_space<hbm>>)
    %dma_start3A_251 = arith.constant 8320 : i32
    %dma_start3A_252 = tpu.memref_slice %arg5[%dma_start3A_251] : memref<10240xi32, #tpu.memory_space<vmem>> -> memref<640xi32, #tpu.memory_space<vmem>>
    %dma_start3A_253 = arith.constant 0 : i32
    %dma_start3A_254 = arith.constant 0 : i32
    %dma_start3A_255 = tpu.memref_slice %arg3[%dma_start3A_253, %dma_start3A_254] : memref<1000000x64xf32, #tpu.memory_space<hbm>> -> memref<1000000x64xf32, #tpu.memory_space<hbm>>
    tpu.enqueue_indirect_dma source(%dma_start3A_255 : memref<1000000x64xf32, #tpu.memory_space<hbm>>) target(%arg7 : memref<640x64xf32, #tpu.memory_space<vmem>>) offsets(%dma_start3A_252 : memref<640xi32, #tpu.memory_space<vmem>>) semaphore(%arg9 : memref<!tpu.dma_semaphore, #tpu.memory_space<semaphore_mem>>)
    %add3A_256 = arith.constant 7680 : i32
    %add3A_257 = arith.addi %mul3A_2, %add3A_256 : i32
    %dma_start3A_258 = arith.constant 0 : i32
    %dma_start3A_259 = tpu.memref_slice %arg4[%add3A_257, %dma_start3A_258] : memref<327680x64xf32, #tpu.memory_space<hbm>> -> memref<640x64xf32, #tpu.memory_space<hbm>>
    %dma_start3A_260 = arith.constant 0 : i32
    %dma_start3A_261 = tpu.memref_slice %arg4[%add3A_257, %dma_start3A_260] : memref<327680x64xf32, #tpu.memory_space<hbm>> -> memref<640x64xf32, #tpu.memory_space<hbm>>
    tpu.enqueue_dma source(%arg6 : memref<640x64xf32, #tpu.memory_space<vmem>>) target(%dma_start3A_261 : memref<640x64xf32, #tpu.memory_space<hbm>>) target_semaphore(%arg10 : memref<!tpu.dma_semaphore, #tpu.memory_space<semaphore_mem>>)
    %dma_wait3A_262 = arith.constant 8320 : i32
    %dma_wait3A_263 = tpu.memref_slice %arg5[%dma_wait3A_262] : memref<10240xi32, #tpu.memory_space<vmem>> -> memref<640xi32, #tpu.memory_space<vmem>>
    %dma_wait3A_264 = arith.constant 0 : i32
    %dma_wait3A_265 = arith.constant 0 : i32
    %dma_wait3A_266 = tpu.memref_slice %arg3[%dma_wait3A_264, %dma_wait3A_265] : memref<1000000x64xf32, #tpu.memory_space<hbm>> -> memref<1000000x64xf32, #tpu.memory_space<hbm>>
    tpu.wait_indirect_dma semaphore(%arg9 : memref<!tpu.dma_semaphore, #tpu.memory_space<semaphore_mem>>) src(%dma_wait3A_266 : memref<1000000x64xf32, #tpu.memory_space<hbm>>) dst(%arg7 : memref<640x64xf32, #tpu.memory_space<vmem>>)
    %dma_wait3A_267 = arith.constant 0 : i32
    %dma_wait3A_268 = tpu.memref_slice %arg4[%add3A_257, %dma_wait3A_267] : memref<327680x64xf32, #tpu.memory_space<hbm>> -> memref<640x64xf32, #tpu.memory_space<hbm>>
    %dma_wait3A_269 = arith.constant 0 : i32
    %dma_wait3A_270 = tpu.memref_slice %arg4[%add3A_257, %dma_wait3A_269] : memref<327680x64xf32, #tpu.memory_space<hbm>> -> memref<640x64xf32, #tpu.memory_space<hbm>>
    tpu.wait_dma2 semaphore(%arg10 : memref<!tpu.dma_semaphore, #tpu.memory_space<semaphore_mem>>) src(%arg6 : memref<640x64xf32, #tpu.memory_space<vmem>>) dst(%dma_wait3A_270 : memref<640x64xf32, #tpu.memory_space<hbm>>)
    %dma_start3A_271 = arith.constant 8960 : i32
    %dma_start3A_272 = tpu.memref_slice %arg5[%dma_start3A_271] : memref<10240xi32, #tpu.memory_space<vmem>> -> memref<640xi32, #tpu.memory_space<vmem>>
    %dma_start3A_273 = arith.constant 0 : i32
    %dma_start3A_274 = arith.constant 0 : i32
    %dma_start3A_275 = tpu.memref_slice %arg3[%dma_start3A_273, %dma_start3A_274] : memref<1000000x64xf32, #tpu.memory_space<hbm>> -> memref<1000000x64xf32, #tpu.memory_space<hbm>>
    tpu.enqueue_indirect_dma source(%dma_start3A_275 : memref<1000000x64xf32, #tpu.memory_space<hbm>>) target(%arg6 : memref<640x64xf32, #tpu.memory_space<vmem>>) offsets(%dma_start3A_272 : memref<640xi32, #tpu.memory_space<vmem>>) semaphore(%arg8 : memref<!tpu.dma_semaphore, #tpu.memory_space<semaphore_mem>>)
    %add3A_276 = arith.constant 8320 : i32
    %add3A_277 = arith.addi %mul3A_2, %add3A_276 : i32
    %dma_start3A_278 = arith.constant 0 : i32
    %dma_start3A_279 = tpu.memref_slice %arg4[%add3A_277, %dma_start3A_278] : memref<327680x64xf32, #tpu.memory_space<hbm>> -> memref<640x64xf32, #tpu.memory_space<hbm>>
    %dma_start3A_280 = arith.constant 0 : i32
    %dma_start3A_281 = tpu.memref_slice %arg4[%add3A_277, %dma_start3A_280] : memref<327680x64xf32, #tpu.memory_space<hbm>> -> memref<640x64xf32, #tpu.memory_space<hbm>>
    tpu.enqueue_dma source(%arg7 : memref<640x64xf32, #tpu.memory_space<vmem>>) target(%dma_start3A_281 : memref<640x64xf32, #tpu.memory_space<hbm>>) target_semaphore(%arg11 : memref<!tpu.dma_semaphore, #tpu.memory_space<semaphore_mem>>)
    %dma_wait3A_282 = arith.constant 8960 : i32
    %dma_wait3A_283 = tpu.memref_slice %arg5[%dma_wait3A_282] : memref<10240xi32, #tpu.memory_space<vmem>> -> memref<640xi32, #tpu.memory_space<vmem>>
    %dma_wait3A_284 = arith.constant 0 : i32
    %dma_wait3A_285 = arith.constant 0 : i32
    %dma_wait3A_286 = tpu.memref_slice %arg3[%dma_wait3A_284, %dma_wait3A_285] : memref<1000000x64xf32, #tpu.memory_space<hbm>> -> memref<1000000x64xf32, #tpu.memory_space<hbm>>
    tpu.wait_indirect_dma semaphore(%arg8 : memref<!tpu.dma_semaphore, #tpu.memory_space<semaphore_mem>>) src(%dma_wait3A_286 : memref<1000000x64xf32, #tpu.memory_space<hbm>>) dst(%arg6 : memref<640x64xf32, #tpu.memory_space<vmem>>)
    %dma_wait3A_287 = arith.constant 0 : i32
    %dma_wait3A_288 = tpu.memref_slice %arg4[%add3A_277, %dma_wait3A_287] : memref<327680x64xf32, #tpu.memory_space<hbm>> -> memref<640x64xf32, #tpu.memory_space<hbm>>
    %dma_wait3A_289 = arith.constant 0 : i32
    %dma_wait3A_290 = tpu.memref_slice %arg4[%add3A_277, %dma_wait3A_289] : memref<327680x64xf32, #tpu.memory_space<hbm>> -> memref<640x64xf32, #tpu.memory_space<hbm>>
    tpu.wait_dma2 semaphore(%arg11 : memref<!tpu.dma_semaphore, #tpu.memory_space<semaphore_mem>>) src(%arg7 : memref<640x64xf32, #tpu.memory_space<vmem>>) dst(%dma_wait3A_290 : memref<640x64xf32, #tpu.memory_space<hbm>>)
    %dma_start3A_291 = arith.constant 9600 : i32
    %dma_start3A_292 = tpu.memref_slice %arg5[%dma_start3A_291] : memref<10240xi32, #tpu.memory_space<vmem>> -> memref<640xi32, #tpu.memory_space<vmem>>
    %dma_start3A_293 = arith.constant 0 : i32
    %dma_start3A_294 = arith.constant 0 : i32
    %dma_start3A_295 = tpu.memref_slice %arg3[%dma_start3A_293, %dma_start3A_294] : memref<1000000x64xf32, #tpu.memory_space<hbm>> -> memref<1000000x64xf32, #tpu.memory_space<hbm>>
    tpu.enqueue_indirect_dma source(%dma_start3A_295 : memref<1000000x64xf32, #tpu.memory_space<hbm>>) target(%arg7 : memref<640x64xf32, #tpu.memory_space<vmem>>) offsets(%dma_start3A_292 : memref<640xi32, #tpu.memory_space<vmem>>) semaphore(%arg9 : memref<!tpu.dma_semaphore, #tpu.memory_space<semaphore_mem>>)
    %add3A_296 = arith.constant 8960 : i32
    %add3A_297 = arith.addi %mul3A_2, %add3A_296 : i32
    %dma_start3A_298 = arith.constant 0 : i32
    %dma_start3A_299 = tpu.memref_slice %arg4[%add3A_297, %dma_start3A_298] : memref<327680x64xf32, #tpu.memory_space<hbm>> -> memref<640x64xf32, #tpu.memory_space<hbm>>
    %dma_start3A_300 = arith.constant 0 : i32
    %dma_start3A_301 = tpu.memref_slice %arg4[%add3A_297, %dma_start3A_300] : memref<327680x64xf32, #tpu.memory_space<hbm>> -> memref<640x64xf32, #tpu.memory_space<hbm>>
    tpu.enqueue_dma source(%arg6 : memref<640x64xf32, #tpu.memory_space<vmem>>) target(%dma_start3A_301 : memref<640x64xf32, #tpu.memory_space<hbm>>) target_semaphore(%arg10 : memref<!tpu.dma_semaphore, #tpu.memory_space<semaphore_mem>>)
    %dma_wait3A_302 = arith.constant 9600 : i32
    %dma_wait3A_303 = tpu.memref_slice %arg5[%dma_wait3A_302] : memref<10240xi32, #tpu.memory_space<vmem>> -> memref<640xi32, #tpu.memory_space<vmem>>
    %dma_wait3A_304 = arith.constant 0 : i32
    %dma_wait3A_305 = arith.constant 0 : i32
    %dma_wait3A_306 = tpu.memref_slice %arg3[%dma_wait3A_304, %dma_wait3A_305] : memref<1000000x64xf32, #tpu.memory_space<hbm>> -> memref<1000000x64xf32, #tpu.memory_space<hbm>>
    tpu.wait_indirect_dma semaphore(%arg9 : memref<!tpu.dma_semaphore, #tpu.memory_space<semaphore_mem>>) src(%dma_wait3A_306 : memref<1000000x64xf32, #tpu.memory_space<hbm>>) dst(%arg7 : memref<640x64xf32, #tpu.memory_space<vmem>>)
    %add3A_307 = arith.constant 9600 : i32
    %add3A_308 = arith.addi %mul3A_2, %add3A_307 : i32
    %dma_start3A_309 = arith.constant 0 : i32
    %dma_start3A_310 = tpu.memref_slice %arg4[%add3A_308, %dma_start3A_309] : memref<327680x64xf32, #tpu.memory_space<hbm>> -> memref<640x64xf32, #tpu.memory_space<hbm>>
    %dma_start3A_311 = arith.constant 0 : i32
    %dma_start3A_312 = tpu.memref_slice %arg4[%add3A_308, %dma_start3A_311] : memref<327680x64xf32, #tpu.memory_space<hbm>> -> memref<640x64xf32, #tpu.memory_space<hbm>>
    tpu.enqueue_dma source(%arg7 : memref<640x64xf32, #tpu.memory_space<vmem>>) target(%dma_start3A_312 : memref<640x64xf32, #tpu.memory_space<hbm>>) target_semaphore(%arg11 : memref<!tpu.dma_semaphore, #tpu.memory_space<semaphore_mem>>)
    %dma_wait3A_313 = arith.constant 0 : i32
    %dma_wait3A_314 = tpu.memref_slice %arg4[%add3A_297, %dma_wait3A_313] : memref<327680x64xf32, #tpu.memory_space<hbm>> -> memref<640x64xf32, #tpu.memory_space<hbm>>
    %dma_wait3A_315 = arith.constant 0 : i32
    %dma_wait3A_316 = tpu.memref_slice %arg4[%add3A_297, %dma_wait3A_315] : memref<327680x64xf32, #tpu.memory_space<hbm>> -> memref<640x64xf32, #tpu.memory_space<hbm>>
    tpu.wait_dma2 semaphore(%arg10 : memref<!tpu.dma_semaphore, #tpu.memory_space<semaphore_mem>>) src(%arg6 : memref<640x64xf32, #tpu.memory_space<vmem>>) dst(%dma_wait3A_316 : memref<640x64xf32, #tpu.memory_space<hbm>>)
    %dma_wait3A_317 = arith.constant 0 : i32
    %dma_wait3A_318 = tpu.memref_slice %arg4[%add3A_308, %dma_wait3A_317] : memref<327680x64xf32, #tpu.memory_space<hbm>> -> memref<640x64xf32, #tpu.memory_space<hbm>>
    %dma_wait3A_319 = arith.constant 0 : i32
    %dma_wait3A_320 = tpu.memref_slice %arg4[%add3A_308, %dma_wait3A_319] : memref<327680x64xf32, #tpu.memory_space<hbm>> -> memref<640x64xf32, #tpu.memory_space<hbm>>
    tpu.wait_dma2 semaphore(%arg11 : memref<!tpu.dma_semaphore, #tpu.memory_space<semaphore_mem>>) src(%arg7 : memref<640x64xf32, #tpu.memory_space<vmem>>) dst(%dma_wait3A_320 : memref<640x64xf32, #tpu.memory_space<hbm>>)
    return
  }
}

</mosaic_0001>

<sc_bundles>
// kernel: kernel.3.cloned.1.call-start
scs
__scs_entry_jumppad:
0x0: {  	(pc) =	sbr.rel $0x88, $3  }
0x1: {  	(tag) =	ssettag $0x0;
	lr =	simm.s32 $0x1  }
0x2: {  	[smem:$0x3F9F] =	sst lr;
	_ =	strace $0xD0000000  }
0x3: {  	_ = 	snop  }
0x4: {  	_ = 	snop  }
0x5: {  	_ = 	snop  }
0x6: {  	_ = 	snop  }
0x7: {  	_ = 	snop  }
__scs_overlays_trampoline_lowered:
0x8: {  	[smem:$0x3FAE] =	sst s0  }
0x9: {  	[smem:$0x3FAF] =	sst s1  }
0xa: {  	[smem:$0x3FB0] =	sst s2  }
0xb: {  	[smem:$0x3FB1] =	sst s3  }
0xc: {  	[smem:$0x3FB2] =	sst s4  }
0xd: {  	[smem:$0x3FB3] =	sst s5  }
0xe: {  	[smem:$0x3FB4] =	sst s6  }
0xf: {  	[smem:$0x3FB5] =	sst s7  }
0x10: {  	[smem:$0x3FB6] =	sst s8  }
0x11: {  	[smem:$0x3FB7] =	sst s9;
	s0 =	simm.s32 @!p0 $0x0  }
0x12: {  	s1 =	sld [smem:$0x3F9D];
	s0 =	simm.s32 @p0 $0x1  }
0x13: {  	[smem:$0x3FB8] =	sst s0;
	s0 =	simm.s32 @!p1 $0x0  }
0x14: {  	s2 =	sld [smem:$0x3F9C];
	s0 =	simm.s32 @p1 $0x1  }
0x15: {  	[smem:$0x3FB9] =	sst s0;
	s0 =	simm.s32 @!p2 $0x0  }
0x16: {  	s3 =	sld [smem:$0x3FDB];
	s0 =	simm.s32 @p2 $0x1  }
0x17: {  	s4 =	simm.s32 $0x1BF5;
	[smem:$0x3FBB] =	sst s0  }
0x18: {  	s0 =	sld [smem:$0x3F9E];
	_ =	swait.ge [sflag:s4], $0x0  }
0x19: {  	s7 =	sld [smem:$0x3F9F]  }
0x1a: {  	s8 =	sadd.s32 $0xFFFFE003, lr  }
0x1b: {  	s9 =	sadd.s32 $0xFFFFFEF7, lr;
	s5 =	simm.s32 $0xFFFFFFFF;
	p2 =	slt.u32 s8, $0xFFFFF086  }
0x1c: {  	p1 =	slt.u32 s9, $0xF7A;
	s5 =	simm.s32 @!p2 $0x0  }
0x1d: {  	s5 =	simm.s32 @p1 $0x1;
	p0 =	seq.s32 s7, s2  }
0x1e: {  	s7 =	smul.u32 @!p0 $0xF7A, s2;
	p2 =	seq.s32 @!p0 s5, $0x0  }
0x1f: {  	s9 =	smul.u32 $0xF7A, s1;
	s8 =	simm.s32 @!p0 $0x1BF5;
	p2 =	por !p2, p0  }
0x20: {  	[sflag:s8] =	ssyncset.s32 @!p0 $0xFFFFF086;
	s6 =	sadd.s32 @!p0 s3, s7;
	s7 =	simm.s32 @!p0 $0x108  }
0x21: {  	s3 =	sadd.s32 s3, s9;
	s6 =	sadd.s32 @!p0 $0x88, s6;
	s7 =	simm.s32 @p2 $0x1082  }
0x22: {  	[simem:s7], [sflag:s8] =	dma.local @!p0 [hbm:s6], $0xF7A  }
0x23: {  	s9 =	sor.u32 $0xD0000000, s2;
	s6 =	simm.s32 $0x108;
	_ =	swait.ge @!p0 [sflag:s8], $0x0  }
0x24: {  	s3 =	sadd.s32 $0x88, s3;
	s6 =	simm.s32 @!p1 $0x1082;
	[sflag:s4] =	ssyncset.s32 $0xFFFFF086  }
0x25: {  	[simem:s6], [sflag:s4] =	dma.local [hbm:s3], $0xF7A  }
0x26: {  	[smem:$0x3F9F] =	sst s1;
	(tag) =	ssettag s2;
	_ =	strace s9  }
0x27: {  	s1 =	sld [smem:$0x3FAF]  }
0x28: {  	s2 =	sld [smem:$0x3FB0]  }
0x29: {  	s4 =	sld [smem:$0x3FB2]  }
0x2a: {  	p0 =	seq.s32 s5, $0x0;
	s5 =	sld [smem:$0x3FB3]  }
0x2b: {  	s6 =	sld [smem:$0x3FB4]  }
0x2c: {  	s7 =	sld [smem:$0x3FB5]  }
0x2d: {  	s3 =	simm.s32 $0x108;
	s8 =	sld [smem:$0x3FB6]  }
0x2e: {  	s3 =	simm.s32 @!p0 $0x1082;
	s9 =	sld [smem:$0x3FB7]  }
0x2f: {  	lr =	sadd.s32 s0, s3;
	s0 =	sld [smem:$0x3FAE]  }
0x30: {  	s3 =	sld [smem:$0x3FB1]  }
0x31: {  	[smem:$0x3FBA] =	sst s10  }
0x32: {  	s10 =	sld [smem:$0x3FB8];
	_ =	sdelay $0x3  }
0x33: {  	p0 =	seq.s32 s10, $0x1;
	s10 =	sld [smem:$0x3FBA];
	_ =	sdelay $0x3  }
0x34: {  	[smem:$0x3FBA] =	sst s10  }
0x35: {  	s10 =	sld [smem:$0x3FB9];
	_ =	sdelay $0x3  }
0x36: {  	p1 =	seq.s32 s10, $0x1;
	s10 =	sld [smem:$0x3FBA];
	_ =	sdelay $0x3  }
0x37: {  	[smem:$0x3FBA] =	sst s10  }
0x38: {  	s10 =	sld [smem:$0x3FBB]  }
0x39: {  	_ = 	snop;
	(pc) =	sbr.ind lr, $3  }
0x3a: {  	_ = 	snop  }
0x3b: {  	_ = 	snop  }
0x3c: {  	p2 =	seq.s32 s10, $0x1;
	s10 =	sld [smem:$0x3FBA]  }
0x3d: {  	_ =	shalt  }
0x3e: {  	_ =	shalt  }
0x3f: {  	_ =	shalt  }
0x40: {  	_ =	shalt  }
0x41: {  	_ =	shalt  }
0x42: {  	_ =	shalt  }
0x43: {  	_ =	shalt  }
0x44: {  	_ =	shalt  }
0x45: {  	_ =	shalt  }
0x46: {  	_ =	shalt  }
0x47: {  	_ =	shalt  }
0x48: {  	_ =	shalt  }
0x49: {  	_ =	shalt  }
0x4a: {  	_ =	shalt  }
0x4b: {  	_ =	shalt  }
0x4c: {  	_ =	shalt  }
0x4d: {  	_ =	shalt  }
0x4e: {  	_ =	shalt  }
0x4f: {  	_ =	shalt  }
0x50: {  	_ =	shalt  }
0x51: {  	_ =	shalt  }
0x52: {  	_ =	shalt  }
0x53: {  	_ =	shalt  }
0x54: {  	_ =	shalt  }
0x55: {  	_ =	shalt  }
0x56: {  	_ =	shalt  }
0x57: {  	_ =	shalt  }
0x58: {  	_ =	shalt  }
0x59: {  	_ =	shalt  }
0x5a: {  	_ =	shalt  }
0x5b: {  	_ =	shalt  }
0x5c: {  	_ =	shalt  }
0x5d: {  	_ =	shalt  }
0x5e: {  	_ =	shalt  }
0x5f: {  	_ =	shalt  }
0x60: {  	_ =	shalt  }
0x61: {  	_ =	shalt  }
0x62: {  	_ =	shalt  }
0x63: {  	_ =	shalt  }
0x64: {  	_ =	shalt  }
0x65: {  	_ =	shalt  }
0x66: {  	_ =	shalt  }
0x67: {  	_ =	shalt  }
0x68: {  	_ =	shalt  }
0x69: {  	_ =	shalt  }
0x6a: {  	_ =	shalt  }
0x6b: {  	_ =	shalt  }
0x6c: {  	_ =	shalt  }
0x6d: {  	_ =	shalt  }
0x6e: {  	_ =	shalt  }
0x6f: {  	_ =	shalt  }
0x70: {  	_ =	shalt  }
0x71: {  	_ =	shalt  }
0x72: {  	_ =	shalt  }
0x73: {  	_ =	shalt  }
0x74: {  	_ =	shalt  }
0x75: {  	_ =	shalt  }
0x76: {  	_ =	shalt  }
0x77: {  	_ =	shalt  }
0x78: {  	_ =	shalt  }
0x79: {  	_ =	shalt  }
0x7a: {  	_ =	shalt  }
0x7b: {  	_ =	shalt  }
0x7c: {  	_ =	shalt  }
0x7d: {  	_ =	shalt  }
0x7e: {  	_ =	shalt  }
0x7f: {  	_ =	shalt  }
0x80: {  	_ =	shalt  }
0x81: {  	_ =	shalt  }
0x82: {  	_ =	shalt  }
0x83: {  	_ =	shalt  }
0x84: {  	_ =	shalt  }
0x85: {  	_ =	shalt  }
0x86: {  	_ =	shalt  }
0x87: {  	_ =	shalt  }
.Lfunc_end0:
.L_simem_size_0:
called_computation.1_lowered:
.L_overlay_start_0:
0x88: {  	s2 =	sld [smem:$0x3FD9]  }
0x89: {  	s3 =	sld [smem:$0x3FFE];
	_ =	sdelay $0x1  }
0x8a: {  	s1 =	srdreg.scid  }
0x8b: {  	s0 =	sand.u32 $0x1, s1  }
0x8c: {  	s17 =	sshll.u32 s0, $0xA;
	s2 =	sadd.s32 s3, s2  }
0x8d: {  	s2 =	sadd.s32 s2, s17  }
0x8e: {  	[smem:$0x3FC6] =	sst s2  }
0x8f: {  	_ = 	snop  }
0x90: {  	s2 =	sld [smem:$0x3FD0];
	(tm) =	ssettm $0x1  }
0x91: {  	s18 =	sld [smem:$0x3FFB];
	_ =	sdelay $0x3  }
0x92: {  	_ =	strace s18  }
0x93: {  	s3 =	sld [smem:$0x3FFC];
	_ =	sdelay $0x3  }
0x94: {  	_ =	strace s3  }
0x95: {  	s3 =	sld [smem:$0x3FFD];
	_ =	sdelay $0x3  }
0x96: {  	_ =	strace s3  }
0x97: {  	_ =	strace $0x8FFFFFFF  }
0x98: {  	s19 =	sld [smem:$0x3FDB];
	_ =	sdelay $0x1  }
0x99: {  	s4 =	simm.s32 $_scs_section_size  }
0x9a: {  	s5 =	simm.s32 $_size__tile_overlayer_lowered;
	s6 =	simm.s32 $_tile_overlayer_lowered  }
0x9b: {  	s22 =	simm.s32 $0x1BFF;
	s21 =	sshll.u32 s6, $0x1;
	s3 =	sadd.s32 s4, s19  }
0x9c: {  	s7 =	simm.s32 $0x0;
	s20 =	sshll.u32 s5, $0x1;
	s5 =	sadd.s32 s21, s3  }
0x9d: {  	[timem:s7], [sflag:s22] =	dma.local [hbm:s5], s20  }
0x9e: {  	_ =	swait.ge [sflag:s22], s20  }
0x9f: {  	s4 =	ssub.s32 $0x0, s20;
	[sflag:s22] =	ssyncset.done $0x0  }
0xa0: {  	[sflag:s22] =	ssyncadd.s32 s4;
	_ =	sdelay $0x1  }
0xa1: {  	s23 =	simm.s32 $0x1B8B  }
0xa2: {  	_ =	swait.ge [sflag:s23], $0x1  }
0xa3: {  	[sflag:s23] =	ssyncset.done $0x0  }
0xa4: {  	s25 =	simm.s32 $0x1B8E;
	s24 =	sld [smem:$0x3FFE];
	[sflag:s23] =	ssyncadd.s32 $0xFFFFFFFF  }
0xa5: {  	s26 =	simm.s32 $execute0_lowered;
	[smem:$0x3FD2] =	sst s25  }
0xa6: {  	s5 =	sshll.u32 s26, $0x1;
	_ =	strace $0x80000046;
	[dreg:$0x1] =	wrdreg $0xFFFFFFFF  }
0xa7: {  	s28 =	simm.s32 $_size_execute0_lowered;
	s3 =	sadd.s32 s3, s5;
	[dreg:$0x0] =	wrdreg $0x0  }
0xa8: {  	s5 =	sshll.u32 s28, $0x1;
	[dreg:$0x2] =	wrdreg s3  }
0xa9: {  	[dreg:$0x3] =	wrdreg s5  }
0xaa: {  	[dreg:$0x4] =	wrdreg $0xC0  }
0xab: {  	_ =	task [dreg:s7], $0x5FFFF  }
0xac: {  	[dreg:$0x1] =	wrdreg $0xFFFFFFFF  }
0xad: {  	[dreg:$0x0] =	wrdreg $0x60  }
0xae: {  	[dreg:$0x2] =	wrdreg s24  }
0xaf: {  	[dreg:$0x3] =	wrdreg s2  }
0xb0: {  	[dreg:$0x4] =	wrdreg $0x9  }
0xb1: {  	_ =	task.clear_ibuf [dreg:s7], $0x5FFFF;
	_ =	strace $0x90000046  }
0xb2: {  	s29 =	simm.s32 $0x9;
	_ =	strace $0x80000048  }
0xb3: {  	_ =	swait.ge [sflag:s29], $0x1  }
0xb4: {  	[sflag:s29] =	ssyncadd.s32 $0xFFFFFFFF  }
0xb5: {  	_ =	strace $0x90000048  }
0xb6: {  	_ =	sfence  }
0xb7: {  	s30 =	sld [smem:$0x0];
	_ =	sdelay $0x2  }
0xb8: {  	s31 =	sshll.u32 s1, $0xD;
	s1 =	sshrl.u32 s1, $0x2  }
0xb9: {  	s3 =	sand.u32 $0x4000, s31;
	s1 =	sadd.s32 s1, s30  }
0xba: {  	s0 =	sor.u32 s3, s0;
	s1 =	sshll.u32 s1, $0x11  }
0xbb: {  	s0 =	sor.u32 s1, s0  }
0xbc: {  	s0 =	sadd.s32 $0x8F2B, s0  }
0xbd: {  	[sflag:s0] =	ssyncadd.remote.s32 $0x1  }
0xbe: {  	_ =	sfence.sel $0xFFFF  }
0xbf: {  	[dreg:$0x0] =	wrdreg $0xFFFFFFFF;
	(pc) =	sbr.abs _section_cstart, $3  }
0xc0: {  	[dreg:$0x1] =	wrdreg $0xFFFFFFFF  }
0xc1: {  	_ =	task.clear_ibuf [dreg:s7], $0x2FFFF;
	_ =	strace $0x9FFFFFFF  }
0xc2: {  	(tm) =	ssettm $0x7FFFFFFF  }
0xc3: {  	_ =	shalt  }
tec
execute0_lowered:
.L_overlay_start_1:
0x0: {  	(tag) =	ssettag $0x1  }
0x1: {  	s0 =	srdreg.scid;
	s1 =	rddreg [dreg:$0x0]  }
0x2: {  	s2 =	stileid.u32;
	s3 =	rddreg [dreg:$0x1];
	s31 =	simm.s32 $0x5  }
0x3: {  	s9 =	simm.s32 $0x280;
	s10 =	simm.s32 $0x2800;
	s13 =	simm.s32 $0x1  }
0x4: {  	s8 =	simm.s32 $0xC800;
	s11 =	simm.s32 $0x2;
	s7 =	simm.s32 $0x3  }
0x5: {  	s30 =	simm.s32 $0x500;
	s0 =	sand.u32 $0x1, s0;
	s2 =	sshll.u32 s2, $0x1  }
0x6: {  	s29 =	simm.s32 $0x780;
	s28 =	simm.s32 $0xA00;
	s4 =	sor.u32 s0, s2  }
0x7: {  	p0 =	por $0x0, $0x0;
	s2 =	simm.s32 $0x0;
	s5 =	smul.u32 $0x500, s4  }
0x8: {  	s0 =	ssub.s32 $0x2, s0;
	[smem:$0x7FF] =	sst s2;
	s6 =	smul.u32 $0x14000, s4  }
0x9: {  	s4 =	smul.u32 $0xA0000, s4;
	s25 =	sshrl.u32 s0, $0x1;
	_ =	strace $0x80000047  }
0xa: {  	s0 =	ssub.s32 s0, s25;
	s25 =	simm.s32 $0xF00;
	s5 =	sadd.s32 s5, s1  }
0xb: {  	s24 =	sadd.s32 s3, s6;
	s4 =	sshrl.u32 s4, $0x3;
	s5 =	sadd.s32 $0xA00, s5  }
0xc: {  	s0 =	smax.u32 s0, $0x1;
	s15 =	sadd.s32 $0x1400, s24;
	[dreg:$0x3] =	wrdreg s5  }
0xd: {  	s6 =	simm.s32 $0x4;
	s16 =	sadd.s32 $0x2800, s24;
	[dreg:$0x4] =	wrdreg s15  }
0xe: {  	s17 =	sadd.s32 $0x3C00, s24;
	s4 =	sadd.s32 s3, s4;
	[dreg:$0x5] =	wrdreg s16  }
0xf: {  	p1 =	sne.s32 s0, $0x1;
	[dreg:$0x6] =	wrdreg s17;
	s3 =	sadd.s32 $0x5000, s4  }
0x10: {  	s18 =	sadd.s32 $0x6400, s4;
	s19 =	sadd.s32 $0x7800, s4;
	[dreg:$0x7] =	wrdreg s3  }
0x11: {  	s20 =	sadd.s32 $0x8C00, s4;
	s21 =	sadd.s32 $0xA000, s4;
	[dreg:$0x8] =	wrdreg s18  }
0x12: {  	s22 =	sadd.s32 $0xB400, s4;
	s23 =	sadd.s32 $0xC800, s4;
	[dreg:$0x9] =	wrdreg s19  }
0x13: {  	s26 =	sadd.s32 $0xDC00, s4;
	s14 =	sadd.s32 $0xF000, s4;
	[dreg:$0xa] =	wrdreg s20  }
0x14: {  	s12 =	sadd.s32 $0x10400, s4;
	s5 =	sadd.s32 $0x11800, s4;
	[dreg:$0xb] =	wrdreg s21  }
0x15: {  	s4 =	sadd.s32 $0x12C00, s4;
	s17 =	simm.s32 $0x2080;
	[dreg:$0xc] =	wrdreg s22  }
.Ltmp0:
0x16: {  	s16 =	simm.s32 $0x2300;
	[dreg:$0xd] =	wrdreg s23;
	(pc) =	sbr.rel @!p1 .LBB2_3-.Ltmp0, $4  }
0x17: {  	s15 =	simm.s32 $0x2580;
	s3 =	sadd.s32 $0xF42E00, s1;
	[dreg:$0xe] =	wrdreg s26  }
0x18: {  	s26 =	simm.s32 $0xC80;
	s23 =	simm.s32 $0x1180;
	s22 =	simm.s32 $0x1400  }
0x19: {  	s21 =	simm.s32 $0x1680;
	s1 =	sadd.s32 $0xFFFFFFFF, s0;
	s20 =	simm.s32 $0x1900  }
0x1a: {  	s19 =	simm.s32 $0x1B80;
	s18 =	simm.s32 $0x1E00;
	s0 =	rddreg [dreg:$0x3]  }
0x1b: {  	[tilespmem:s2], [sflag:$0x5] =	stream.linear.gather [hbm4b:s0+s2], $0x2800, $0x38;
	[tilespmem:$0x16800] =	vst v63  }
0x1c: {  	_ =	swait.ge [sflag:s31], $0x2800  }
0x1d: {  	[sflag:s31] =	ssyncset.done $0x0  }
0x1e: {  	[sflag:s31] =	ssyncadd.s32 $0xFFFFD800  }
0x1f: {  	[tilespmem:s10], [sflag:$0x1] =	stream.indirect.gather [hbm4b:s3+s9], $0x40, s2, s9, $0xb8;
	[tilespmem:$0x16800] =	vst v63  }
0x20: {  	_ =	swait.ge [sflag:s13], $0xA000  }
0x21: {  	[sflag:s13] =	ssyncset.done $0x0  }
0x22: {  	[sflag:s13] =	ssyncadd.s32 $0xFFFF6000  }
0x23: {  	[tilespmem:s8], [sflag:$0x2] =	stream.indirect.gather [hbm4b:s3+s9], $0x40, s9, s9, $0xb8;
	[tilespmem:$0x16800] =	vst v63  }
0x24: {  	_ = 	snop  }
0x25: {  	[hbm4b:s24+s2] =	stream.linear.scatter [tilespmem:s10], [sflag:$0x3], $0xA000, $0x38;
	[tilespmem:$0x16800] =	vst v63  }
0x26: {  	_ =	swait.ge [sflag:s11], $0xA000  }
0x27: {  	[sflag:s11] =	ssyncset.done $0x0  }
0x28: {  	[sflag:s11] =	ssyncadd.s32 $0xFFFF6000  }
0x29: {  	_ =	swait.ge [sflag:s7], $0xA000  }
0x2a: {  	[sflag:s7] =	ssyncset.done $0x0  }
0x2b: {  	[sflag:s7] =	ssyncadd.s32 $0xFFFF6000  }
0x2c: {  	[tilespmem:s10], [sflag:$0x1] =	stream.indirect.gather [hbm4b:s3+s9], $0x40, s30, s9, $0xb8;
	[tilespmem:$0x16800] =	vst v63  }
0x2d: {  	s0 =	rddreg [dreg:$0x4]  }
0x2e: {  	[hbm4b:s0+s2] =	stream.linear.scatter [tilespmem:s8], [sflag:$0x4], $0xA000, $0x38;
	[tilespmem:$0x16800] =	vst v63  }
0x2f: {  	_ =	swait.ge [sflag:s13], $0xA000  }
0x30: {  	[sflag:s13] =	ssyncset.done $0x0  }
0x31: {  	[sflag:s13] =	ssyncadd.s32 $0xFFFF6000  }
0x32: {  	_ =	swait.ge [sflag:s6], $0xA000  }
0x33: {  	[sflag:s6] =	ssyncset.done $0x0  }
0x34: {  	[sflag:s6] =	ssyncadd.s32 $0xFFFF6000  }
0x35: {  	[tilespmem:s8], [sflag:$0x2] =	stream.indirect.gather [hbm4b:s3+s9], $0x40, s29, s9, $0xb8;
	[tilespmem:$0x16800] =	vst v63  }
0x36: {  	s0 =	rddreg [dreg:$0x5]  }
0x37: {  	[hbm4b:s0+s2] =	stream.linear.scatter [tilespmem:s10], [sflag:$0x3], $0xA000, $0x38;
	[tilespmem:$0x16800] =	vst v63  }
0x38: {  	_ =	swait.ge [sflag:s11], $0xA000  }
0x39: {  	[sflag:s11] =	ssyncset.done $0x0  }
0x3a: {  	[sflag:s11] =	ssyncadd.s32 $0xFFFF6000  }
0x3b: {  	_ =	swait.ge [sflag:s7], $0xA000  }
0x3c: {  	[sflag:s7] =	ssyncset.done $0x0  }
0x3d: {  	[sflag:s7] =	ssyncadd.s32 $0xFFFF6000  }
0x3e: {  	[tilespmem:s10], [sflag:$0x1] =	stream.indirect.gather [hbm4b:s3+s9], $0x40, s28, s9, $0xb8;
	[tilespmem:$0x16800] =	vst v63  }
0x3f: {  	s0 =	rddreg [dreg:$0x6]  }
0x40: {  	[hbm4b:s0+s2] =	stream.linear.scatter [tilespmem:s8], [sflag:$0x4], $0xA000, $0x38;
	[tilespmem:$0x16800] =	vst v63  }
0x41: {  	_ =	swait.ge [sflag:s13], $0xA000  }
0x42: {  	[sflag:s13] =	ssyncset.done $0x0  }
0x43: {  	[sflag:s13] =	ssyncadd.s32 $0xFFFF6000  }
0x44: {  	_ =	swait.ge [sflag:s6], $0xA000  }
0x45: {  	[sflag:s6] =	ssyncset.done $0x0  }
0x46: {  	[sflag:s6] =	ssyncadd.s32 $0xFFFF6000  }
0x47: {  	[tilespmem:s8], [sflag:$0x2] =	stream.indirect.gather [hbm4b:s3+s9], $0x40, s26, s9, $0xb8;
	[tilespmem:$0x16800] =	vst v63  }
0x48: {  	s0 =	rddreg [dreg:$0x7]  }
0x49: {  	[hbm4b:s0+s2] =	stream.linear.scatter [tilespmem:s10], [sflag:$0x3], $0xA000, $0x38;
	[tilespmem:$0x16800] =	vst v63  }
0x4a: {  	_ =	swait.ge [sflag:s11], $0xA000  }
0x4b: {  	[sflag:s11] =	ssyncset.done $0x0  }
0x4c: {  	[sflag:s11] =	ssyncadd.s32 $0xFFFF6000  }
0x4d: {  	_ =	swait.ge [sflag:s7], $0xA000  }
0x4e: {  	[sflag:s7] =	ssyncset.done $0x0  }
0x4f: {  	[sflag:s7] =	ssyncadd.s32 $0xFFFF6000  }
0x50: {  	[tilespmem:s10], [sflag:$0x1] =	stream.indirect.gather [hbm4b:s3+s9], $0x40, s25, s9, $0xb8;
	[tilespmem:$0x16800] =	vst v63  }
0x51: {  	s0 =	rddreg [dreg:$0x8]  }
0x52: {  	[hbm4b:s0+s2] =	stream.linear.scatter [tilespmem:s8], [sflag:$0x4], $0xA000, $0x38;
	[tilespmem:$0x16800] =	vst v63  }
0x53: {  	_ =	swait.ge [sflag:s13], $0xA000  }
0x54: {  	[sflag:s13] =	ssyncset.done $0x0  }
0x55: {  	[sflag:s13] =	ssyncadd.s32 $0xFFFF6000  }
0x56: {  	_ =	swait.ge [sflag:s6], $0xA000  }
0x57: {  	[sflag:s6] =	ssyncset.done $0x0  }
0x58: {  	[sflag:s6] =	ssyncadd.s32 $0xFFFF6000  }
0x59: {  	[tilespmem:s8], [sflag:$0x2] =	stream.indirect.gather [hbm4b:s3+s9], $0x40, s23, s9, $0xb8;
	[tilespmem:$0x16800] =	vst v63  }
0x5a: {  	s0 =	rddreg [dreg:$0x9]  }
0x5b: {  	[hbm4b:s0+s2] =	stream.linear.scatter [tilespmem:s10], [sflag:$0x3], $0xA000, $0x38;
	[tilespmem:$0x16800] =	vst v63  }
0x5c: {  	_ =	swait.ge [sflag:s11], $0xA000  }
0x5d: {  	[sflag:s11] =	ssyncset.done $0x0  }
0x5e: {  	[sflag:s11] =	ssyncadd.s32 $0xFFFF6000  }
0x5f: {  	_ =	swait.ge [sflag:s7], $0xA000  }
0x60: {  	[sflag:s7] =	ssyncset.done $0x0  }
0x61: {  	[sflag:s7] =	ssyncadd.s32 $0xFFFF6000  }
0x62: {  	[tilespmem:s10], [sflag:$0x1] =	stream.indirect.gather [hbm4b:s3+s9], $0x40, s22, s9, $0xb8;
	[tilespmem:$0x16800] =	vst v63  }
0x63: {  	s0 =	rddreg [dreg:$0xa]  }
0x64: {  	[hbm4b:s0+s2] =	stream.linear.scatter [tilespmem:s8], [sflag:$0x4], $0xA000, $0x38;
	[tilespmem:$0x16800] =	vst v63  }
0x65: {  	_ =	swait.ge [sflag:s13], $0xA000  }
0x66: {  	[sflag:s13] =	ssyncset.done $0x0  }
0x67: {  	[sflag:s13] =	ssyncadd.s32 $0xFFFF6000  }
0x68: {  	_ =	swait.ge [sflag:s6], $0xA000  }
0x69: {  	[sflag:s6] =	ssyncset.done $0x0  }
0x6a: {  	[sflag:s6] =	ssyncadd.s32 $0xFFFF6000  }
0x6b: {  	[tilespmem:s8], [sflag:$0x2] =	stream.indirect.gather [hbm4b:s3+s9], $0x40, s21, s9, $0xb8;
	[tilespmem:$0x16800] =	vst v63  }
0x6c: {  	s0 =	rddreg [dreg:$0xb]  }
0x6d: {  	[hbm4b:s0+s2] =	stream.linear.scatter [tilespmem:s10], [sflag:$0x3], $0xA000, $0x38;
	[tilespmem:$0x16800] =	vst v63  }
0x6e: {  	_ =	swait.ge [sflag:s11], $0xA000  }
0x6f: {  	[sflag:s11] =	ssyncset.done $0x0  }
0x70: {  	[sflag:s11] =	ssyncadd.s32 $0xFFFF6000  }
0x71: {  	_ =	swait.ge [sflag:s7], $0xA000  }
0x72: {  	[sflag:s7] =	ssyncset.done $0x0  }
0x73: {  	[sflag:s7] =	ssyncadd.s32 $0xFFFF6000  }
0x74: {  	[tilespmem:s10], [sflag:$0x1] =	stream.indirect.gather [hbm4b:s3+s9], $0x40, s20, s9, $0xb8;
	[tilespmem:$0x16800] =	vst v63  }
0x75: {  	s0 =	rddreg [dreg:$0xc]  }
0x76: {  	[hbm4b:s0+s2] =	stream.linear.scatter [tilespmem:s8], [sflag:$0x4], $0xA000, $0x38;
	[tilespmem:$0x16800] =	vst v63  }
0x77: {  	_ =	swait.ge [sflag:s13], $0xA000  }
0x78: {  	[sflag:s13] =	ssyncset.done $0x0  }
0x79: {  	[sflag:s13] =	ssyncadd.s32 $0xFFFF6000  }
0x7a: {  	_ =	swait.ge [sflag:s6], $0xA000  }
0x7b: {  	[sflag:s6] =	ssyncset.done $0x0  }
0x7c: {  	[sflag:s6] =	ssyncadd.s32 $0xFFFF6000  }
0x7d: {  	[tilespmem:s8], [sflag:$0x2] =	stream.indirect.gather [hbm4b:s3+s9], $0x40, s19, s9, $0xb8;
	[tilespmem:$0x16800] =	vst v63  }
0x7e: {  	s0 =	rddreg [dreg:$0xd]  }
0x7f: {  	[hbm4b:s0+s2] =	stream.linear.scatter [tilespmem:s10], [sflag:$0x3], $0xA000, $0x38;
	[tilespmem:$0x16800] =	vst v63  }
0x80: {  	_ =	swait.ge [sflag:s11], $0xA000  }
0x81: {  	[sflag:s11] =	ssyncset.done $0x0  }
0x82: {  	[sflag:s11] =	ssyncadd.s32 $0xFFFF6000  }
0x83: {  	_ =	swait.ge [sflag:s7], $0xA000  }
0x84: {  	[sflag:s7] =	ssyncset.done $0x0  }
0x85: {  	[sflag:s7] =	ssyncadd.s32 $0xFFFF6000  }
0x86: {  	[tilespmem:s10], [sflag:$0x1] =	stream.indirect.gather [hbm4b:s3+s9], $0x40, s18, s9, $0xb8;
	[tilespmem:$0x16800] =	vst v63  }
0x87: {  	s0 =	rddreg [dreg:$0xe]  }
0x88: {  	[hbm4b:s0+s2] =	stream.linear.scatter [tilespmem:s8], [sflag:$0x4], $0xA000, $0x38;
	[tilespmem:$0x16800] =	vst v63  }
0x89: {  	_ =	swait.ge [sflag:s13], $0xA000  }
0x8a: {  	[sflag:s13] =	ssyncset.done $0x0  }
0x8b: {  	[sflag:s13] =	ssyncadd.s32 $0xFFFF6000  }
0x8c: {  	_ =	swait.ge [sflag:s6], $0xA000  }
0x8d: {  	[sflag:s6] =	ssyncset.done $0x0  }
0x8e: {  	[sflag:s6] =	ssyncadd.s32 $0xFFFF6000  }
0x8f: {  	[tilespmem:s8], [sflag:$0x2] =	stream.indirect.gather [hbm4b:s3+s9], $0x40, s17, s9, $0xb8;
	[tilespmem:$0x16800] =	vst v63  }
0x90: {  	_ = 	snop  }
0x91: {  	[hbm4b:s14+s2] =	stream.linear.scatter [tilespmem:s10], [sflag:$0x3], $0xA000, $0x38;
	[tilespmem:$0x16800] =	vst v63  }
0x92: {  	_ =	swait.ge [sflag:s11], $0xA000  }
0x93: {  	[sflag:s11] =	ssyncset.done $0x0  }
0x94: {  	[sflag:s11] =	ssyncadd.s32 $0xFFFF6000  }
0x95: {  	_ =	swait.ge [sflag:s7], $0xA000  }
0x96: {  	[sflag:s7] =	ssyncset.done $0x0  }
0x97: {  	[sflag:s7] =	ssyncadd.s32 $0xFFFF6000  }
0x98: {  	[tilespmem:s10], [sflag:$0x1] =	stream.indirect.gather [hbm4b:s3+s9], $0x40, s16, s9, $0xb8;
	[tilespmem:$0x16800] =	vst v63  }
0x99: {  	_ = 	snop  }
0x9a: {  	[hbm4b:s12+s2] =	stream.linear.scatter [tilespmem:s8], [sflag:$0x4], $0xA000, $0x38;
	[tilespmem:$0x16800] =	vst v63  }
0x9b: {  	_ =	swait.ge [sflag:s13], $0xA000  }
0x9c: {  	[sflag:s13] =	ssyncset.done $0x0  }
0x9d: {  	[sflag:s13] =	ssyncadd.s32 $0xFFFF6000  }
0x9e: {  	_ =	swait.ge [sflag:s6], $0xA000  }
0x9f: {  	[sflag:s6] =	ssyncset.done $0x0  }
0xa0: {  	[sflag:s6] =	ssyncadd.s32 $0xFFFF6000  }
0xa1: {  	[tilespmem:s8], [sflag:$0x2] =	stream.indirect.gather [hbm4b:s3+s9], $0x40, s15, s9, $0xb8;
	[tilespmem:$0x16800] =	vst v63  }
0xa2: {  	_ = 	snop  }
0xa3: {  	[hbm4b:s5+s2] =	stream.linear.scatter [tilespmem:s10], [sflag:$0x3], $0xA000, $0x38;
	[tilespmem:$0x16800] =	vst v63  }
0xa4: {  	_ =	swait.ge [sflag:s11], $0xA000  }
0xa5: {  	[sflag:s11] =	ssyncset.done $0x0  }
0xa6: {  	p1 =	sne.s32 s1, $0x1;
	[sflag:s11] =	ssyncadd.s32 $0xFFFF6000  }
0xa7: {  	[hbm4b:s4+s2] =	stream.linear.scatter [tilespmem:s8], [sflag:$0x4], $0xA000, $0x38;
	[tilespmem:$0x16800] =	vst v63  }
.Ltmp1:
0xa8: {  	_ =	swait.ge [sflag:s7], $0xA000;
	(pc) =	sbr.rel @!p1 .LBB2_3-.Ltmp1, $4  }
0xa9: {  	[sflag:s7] =	ssyncset.done $0x0  }
0xaa: {  	[sflag:s7] =	ssyncadd.s32 $0xFFFF6000  }
0xab: {  	s1 =	sadd.s32 $0xFFFFFFFF, s1;
	_ =	swait.ge [sflag:s6], $0xA000  }
0xac: {  	p0 =	por $0x1, $0x1;
	s0 =	rddreg [dreg:$0x3];
	[sflag:s6] =	ssyncset.done $0x0  }
.LBB2_2:
0xad: {  	[sflag:s6] =	ssyncadd.s32 $0xFFFF6000  }
0xae: {  	[tilespmem:s2], [sflag:$0x5] =	stream.linear.gather [hbm4b:s0+s2], $0x2800, $0x38;
	[tilespmem:$0x16800] =	vst v63  }
0xaf: {  	_ =	swait.ge [sflag:s31], $0x2800  }
0xb0: {  	[sflag:s31] =	ssyncset.done $0x0  }
0xb1: {  	[sflag:s31] =	ssyncadd.s32 $0xFFFFD800  }
0xb2: {  	[tilespmem:s10], [sflag:$0x1] =	stream.indirect.gather [hbm4b:s3+s9], $0x40, s2, s9, $0xb8;
	[tilespmem:$0x16800] =	vst v63  }
0xb3: {  	_ =	swait.ge [sflag:s13], $0xA000  }
0xb4: {  	[sflag:s13] =	ssyncset.done $0x0  }
0xb5: {  	[sflag:s13] =	ssyncadd.s32 $0xFFFF6000  }
0xb6: {  	[tilespmem:s8], [sflag:$0x2] =	stream.indirect.gather [hbm4b:s3+s9], $0x40, s9, s9, $0xb8;
	[tilespmem:$0x16800] =	vst v63  }
0xb7: {  	_ = 	snop  }
0xb8: {  	[hbm4b:s24+s2] =	stream.linear.scatter [tilespmem:s10], [sflag:$0x3], $0xA000, $0x38;
	[tilespmem:$0x16800] =	vst v63  }
0xb9: {  	_ =	swait.ge [sflag:s11], $0xA000  }
0xba: {  	[sflag:s11] =	ssyncset.done $0x0  }
0xbb: {  	[sflag:s11] =	ssyncadd.s32 $0xFFFF6000  }
0xbc: {  	_ =	swait.ge [sflag:s7], $0xA000  }
0xbd: {  	[sflag:s7] =	ssyncset.done $0x0  }
0xbe: {  	[sflag:s7] =	ssyncadd.s32 $0xFFFF6000  }
0xbf: {  	[tilespmem:s10], [sflag:$0x1] =	stream.indirect.gather [hbm4b:s3+s9], $0x40, s30, s9, $0xb8;
	[tilespmem:$0x16800] =	vst v63  }
0xc0: {  	s0 =	rddreg [dreg:$0x4]  }
0xc1: {  	[hbm4b:s0+s2] =	stream.linear.scatter [tilespmem:s8], [sflag:$0x4], $0xA000, $0x38;
	[tilespmem:$0x16800] =	vst v63  }
0xc2: {  	_ =	swait.ge [sflag:s13], $0xA000  }
0xc3: {  	[sflag:s13] =	ssyncset.done $0x0  }
0xc4: {  	[sflag:s13] =	ssyncadd.s32 $0xFFFF6000  }
0xc5: {  	_ =	swait.ge [sflag:s6], $0xA000  }
0xc6: {  	[sflag:s6] =	ssyncset.done $0x0  }
0xc7: {  	[sflag:s6] =	ssyncadd.s32 $0xFFFF6000  }
0xc8: {  	[tilespmem:s8], [sflag:$0x2] =	stream.indirect.gather [hbm4b:s3+s9], $0x40, s29, s9, $0xb8;
	[tilespmem:$0x16800] =	vst v63  }
0xc9: {  	s0 =	rddreg [dreg:$0x5]  }
0xca: {  	[hbm4b:s0+s2] =	stream.linear.scatter [tilespmem:s10], [sflag:$0x3], $0xA000, $0x38;
	[tilespmem:$0x16800] =	vst v63  }
0xcb: {  	_ =	swait.ge [sflag:s11], $0xA000  }
0xcc: {  	[sflag:s11] =	ssyncset.done $0x0  }
0xcd: {  	[sflag:s11] =	ssyncadd.s32 $0xFFFF6000  }
0xce: {  	_ =	swait.ge [sflag:s7], $0xA000  }
0xcf: {  	[sflag:s7] =	ssyncset.done $0x0  }
0xd0: {  	[sflag:s7] =	ssyncadd.s32 $0xFFFF6000  }
0xd1: {  	[tilespmem:s10], [sflag:$0x1] =	stream.indirect.gather [hbm4b:s3+s9], $0x40, s28, s9, $0xb8;
	[tilespmem:$0x16800] =	vst v63  }
0xd2: {  	s0 =	rddreg [dreg:$0x6]  }
0xd3: {  	[hbm4b:s0+s2] =	stream.linear.scatter [tilespmem:s8], [sflag:$0x4], $0xA000, $0x38;
	[tilespmem:$0x16800] =	vst v63  }
0xd4: {  	_ =	swait.ge [sflag:s13], $0xA000  }
0xd5: {  	[sflag:s13] =	ssyncset.done $0x0  }
0xd6: {  	[sflag:s13] =	ssyncadd.s32 $0xFFFF6000  }
0xd7: {  	_ =	swait.ge [sflag:s6], $0xA000  }
0xd8: {  	[sflag:s6] =	ssyncset.done $0x0  }
0xd9: {  	[sflag:s6] =	ssyncadd.s32 $0xFFFF6000  }
0xda: {  	[tilespmem:s8], [sflag:$0x2] =	stream.indirect.gather [hbm4b:s3+s9], $0x40, s26, s9, $0xb8;
	[tilespmem:$0x16800] =	vst v63  }
0xdb: {  	s0 =	rddreg [dreg:$0x7]  }
0xdc: {  	[hbm4b:s0+s2] =	stream.linear.scatter [tilespmem:s10], [sflag:$0x3], $0xA000, $0x38;
	[tilespmem:$0x16800] =	vst v63  }
0xdd: {  	_ =	swait.ge [sflag:s11], $0xA000  }
0xde: {  	[sflag:s11] =	ssyncset.done $0x0  }
0xdf: {  	[sflag:s11] =	ssyncadd.s32 $0xFFFF6000  }
0xe0: {  	_ =	swait.ge [sflag:s7], $0xA000  }
0xe1: {  	[sflag:s7] =	ssyncset.done $0x0  }
0xe2: {  	[sflag:s7] =	ssyncadd.s32 $0xFFFF6000  }
0xe3: {  	[tilespmem:s10], [sflag:$0x1] =	stream.indirect.gather [hbm4b:s3+s9], $0x40, s25, s9, $0xb8;
	[tilespmem:$0x16800] =	vst v63  }
0xe4: {  	s0 =	rddreg [dreg:$0x8]  }
0xe5: {  	[hbm4b:s0+s2] =	stream.linear.scatter [tilespmem:s8], [sflag:$0x4], $0xA000, $0x38;
	[tilespmem:$0x16800] =	vst v63  }
0xe6: {  	_ =	swait.ge [sflag:s13], $0xA000  }
0xe7: {  	[sflag:s13] =	ssyncset.done $0x0  }
0xe8: {  	[sflag:s13] =	ssyncadd.s32 $0xFFFF6000  }
0xe9: {  	_ =	swait.ge [sflag:s6], $0xA000  }
0xea: {  	[sflag:s6] =	ssyncset.done $0x0  }
0xeb: {  	[sflag:s6] =	ssyncadd.s32 $0xFFFF6000  }
0xec: {  	[tilespmem:s8], [sflag:$0x2] =	stream.indirect.gather [hbm4b:s3+s9], $0x40, s23, s9, $0xb8;
	[tilespmem:$0x16800] =	vst v63  }
0xed: {  	s0 =	rddreg [dreg:$0x9]  }
0xee: {  	[hbm4b:s0+s2] =	stream.linear.scatter [tilespmem:s10], [sflag:$0x3], $0xA000, $0x38;
	[tilespmem:$0x16800] =	vst v63  }
0xef: {  	_ =	swait.ge [sflag:s11], $0xA000  }
0xf0: {  	[sflag:s11] =	ssyncset.done $0x0  }
0xf1: {  	[sflag:s11] =	ssyncadd.s32 $0xFFFF6000  }
0xf2: {  	_ =	swait.ge [sflag:s7], $0xA000  }
0xf3: {  	[sflag:s7] =	ssyncset.done $0x0  }
0xf4: {  	[sflag:s7] =	ssyncadd.s32 $0xFFFF6000  }
0xf5: {  	[tilespmem:s10], [sflag:$0x1] =	stream.indirect.gather [hbm4b:s3+s9], $0x40, s22, s9, $0xb8;
	[tilespmem:$0x16800] =	vst v63  }
0xf6: {  	s0 =	rddreg [dreg:$0xa]  }
0xf7: {  	[hbm4b:s0+s2] =	stream.linear.scatter [tilespmem:s8], [sflag:$0x4], $0xA000, $0x38;
	[tilespmem:$0x16800] =	vst v63  }
0xf8: {  	_ =	swait.ge [sflag:s13], $0xA000  }
0xf9: {  	[sflag:s13] =	ssyncset.done $0x0  }
0xfa: {  	[sflag:s13] =	ssyncadd.s32 $0xFFFF6000  }
0xfb: {  	_ =	swait.ge [sflag:s6], $0xA000  }
0xfc: {  	[sflag:s6] =	ssyncset.done $0x0  }
0xfd: {  	[sflag:s6] =	ssyncadd.s32 $0xFFFF6000  }
0xfe: {  	[tilespmem:s8], [sflag:$0x2] =	stream.indirect.gather [hbm4b:s3+s9], $0x40, s21, s9, $0xb8;
	[tilespmem:$0x16800] =	vst v63  }
0xff: {  	s0 =	rddreg [dreg:$0xb]  }
0x100: {  	[hbm4b:s0+s2] =	stream.linear.scatter [tilespmem:s10], [sflag:$0x3], $0xA000, $0x38;
	[tilespmem:$0x16800] =	vst v63  }
0x101: {  	_ =	swait.ge [sflag:s11], $0xA000  }
0x102: {  	[sflag:s11] =	ssyncset.done $0x0  }
0x103: {  	[sflag:s11] =	ssyncadd.s32 $0xFFFF6000  }
0x104: {  	_ =	swait.ge [sflag:s7], $0xA000  }
0x105: {  	[sflag:s7] =	ssyncset.done $0x0  }
0x106: {  	[sflag:s7] =	ssyncadd.s32 $0xFFFF6000  }
0x107: {  	[tilespmem:s10], [sflag:$0x1] =	stream.indirect.gather [hbm4b:s3+s9], $0x40, s20, s9, $0xb8;
	[tilespmem:$0x16800] =	vst v63  }
0x108: {  	s0 =	rddreg [dreg:$0xc]  }
0x109: {  	[hbm4b:s0+s2] =	stream.linear.scatter [tilespmem:s8], [sflag:$0x4], $0xA000, $0x38;
	[tilespmem:$0x16800] =	vst v63  }
0x10a: {  	_ =	swait.ge [sflag:s13], $0xA000  }
0x10b: {  	[sflag:s13] =	ssyncset.done $0x0  }
0x10c: {  	[sflag:s13] =	ssyncadd.s32 $0xFFFF6000  }
0x10d: {  	_ =	swait.ge [sflag:s6], $0xA000  }
0x10e: {  	[sflag:s6] =	ssyncset.done $0x0  }
0x10f: {  	[sflag:s6] =	ssyncadd.s32 $0xFFFF6000  }
0x110: {  	[tilespmem:s8], [sflag:$0x2] =	stream.indirect.gather [hbm4b:s3+s9], $0x40, s19, s9, $0xb8;
	[tilespmem:$0x16800] =	vst v63  }
0x111: {  	s0 =	rddreg [dreg:$0xd]  }
0x112: {  	[hbm4b:s0+s2] =	stream.linear.scatter [tilespmem:s10], [sflag:$0x3], $0xA000, $0x38;
	[tilespmem:$0x16800] =	vst v63  }
0x113: {  	_ =	swait.ge [sflag:s11], $0xA000  }
0x114: {  	[sflag:s11] =	ssyncset.done $0x0  }
0x115: {  	[sflag:s11] =	ssyncadd.s32 $0xFFFF6000  }
0x116: {  	_ =	swait.ge [sflag:s7], $0xA000  }
0x117: {  	[sflag:s7] =	ssyncset.done $0x0  }
0x118: {  	[sflag:s7] =	ssyncadd.s32 $0xFFFF6000  }
0x119: {  	[tilespmem:s10], [sflag:$0x1] =	stream.indirect.gather [hbm4b:s3+s9], $0x40, s18, s9, $0xb8;
	[tilespmem:$0x16800] =	vst v63  }
0x11a: {  	s0 =	rddreg [dreg:$0xe]  }
0x11b: {  	[hbm4b:s0+s2] =	stream.linear.scatter [tilespmem:s8], [sflag:$0x4], $0xA000, $0x38;
	[tilespmem:$0x16800] =	vst v63  }
0x11c: {  	_ =	swait.ge [sflag:s13], $0xA000  }
0x11d: {  	[sflag:s13] =	ssyncset.done $0x0  }
0x11e: {  	[sflag:s13] =	ssyncadd.s32 $0xFFFF6000  }
0x11f: {  	_ =	swait.ge [sflag:s6], $0xA000  }
0x120: {  	[sflag:s6] =	ssyncset.done $0x0  }
0x121: {  	[sflag:s6] =	ssyncadd.s32 $0xFFFF6000  }
0x122: {  	[tilespmem:s8], [sflag:$0x2] =	stream.indirect.gather [hbm4b:s3+s9], $0x40, s17, s9, $0xb8;
	[tilespmem:$0x16800] =	vst v63  }
0x123: {  	_ = 	snop  }
0x124: {  	[hbm4b:s14+s2] =	stream.linear.scatter [tilespmem:s10], [sflag:$0x3], $0xA000, $0x38;
	[tilespmem:$0x16800] =	vst v63  }
0x125: {  	_ =	swait.ge [sflag:s11], $0xA000  }
0x126: {  	[sflag:s11] =	ssyncset.done $0x0  }
0x127: {  	[sflag:s11] =	ssyncadd.s32 $0xFFFF6000  }
0x128: {  	_ =	swait.ge [sflag:s7], $0xA000  }
0x129: {  	[sflag:s7] =	ssyncset.done $0x0  }
0x12a: {  	[sflag:s7] =	ssyncadd.s32 $0xFFFF6000  }
0x12b: {  	[tilespmem:s10], [sflag:$0x1] =	stream.indirect.gather [hbm4b:s3+s9], $0x40, s16, s9, $0xb8;
	[tilespmem:$0x16800] =	vst v63  }
0x12c: {  	_ = 	snop  }
0x12d: {  	[hbm4b:s12+s2] =	stream.linear.scatter [tilespmem:s8], [sflag:$0x4], $0xA000, $0x38;
	[tilespmem:$0x16800] =	vst v63  }
0x12e: {  	_ =	swait.ge [sflag:s13], $0xA000  }
0x12f: {  	[sflag:s13] =	ssyncset.done $0x0  }
0x130: {  	[sflag:s13] =	ssyncadd.s32 $0xFFFF6000  }
0x131: {  	_ =	swait.ge [sflag:s6], $0xA000  }
0x132: {  	[sflag:s6] =	ssyncset.done $0x0  }
0x133: {  	[sflag:s6] =	ssyncadd.s32 $0xFFFF6000  }
0x134: {  	[tilespmem:s8], [sflag:$0x2] =	stream.indirect.gather [hbm4b:s3+s9], $0x40, s15, s9, $0xb8;
	[tilespmem:$0x16800] =	vst v63  }
0x135: {  	_ = 	snop  }
0x136: {  	[hbm4b:s5+s2] =	stream.linear.scatter [tilespmem:s10], [sflag:$0x3], $0xA000, $0x38;
	[tilespmem:$0x16800] =	vst v63  }
0x137: {  	_ =	swait.ge [sflag:s11], $0xA000  }
0x138: {  	[sflag:s11] =	ssyncset.done $0x0  }
0x139: {  	p1 =	sne.s32 s1, $0x1;
	[sflag:s11] =	ssyncadd.s32 $0xFFFF6000  }
0x13a: {  	[hbm4b:s4+s2] =	stream.linear.scatter [tilespmem:s8], [sflag:$0x4], $0xA000, $0x38;
	[tilespmem:$0x16800] =	vst v63  }
.Ltmp2:
0x13b: {  	_ =	swait.ge [sflag:s7], $0xA000;
	(pc) =	sbr.rel @p1 .LBB2_2-.Ltmp2, $4  }
0x13c: {  	[sflag:s7] =	ssyncset.done $0x0  }
0x13d: {  	[sflag:s7] =	ssyncadd.s32 $0xFFFF6000  }
0x13e: {  	_ =	swait.ge [sflag:s6], $0xA000  }
0x13f: {  	s1 =	sadd.s32 $0xFFFFFFFF, s1;
	s0 =	rddreg [dreg:$0x3];
	[sflag:s6] =	ssyncset.done $0x0  }
.LBB2_3:
0x140: {  	[sflag:s6] =	ssyncadd.s32 @p0 $0xFFFF6000  }
0x141: {  	[tilespmem:s2], [sflag:$0x5] =	stream.linear.gather [hbm4b:s0+s2], $0x2800, $0x38;
	[tilespmem:$0x16800] =	vst v63  }
0x142: {  	_ =	swait.ge [sflag:s31], $0x2800  }
0x143: {  	[sflag:s31] =	ssyncset.done $0x0  }
0x144: {  	[sflag:s31] =	ssyncadd.s32 $0xFFFFD800  }
0x145: {  	[tilespmem:s10], [sflag:$0x1] =	stream.indirect.gather [hbm4b:s3+s9], $0x40, s2, s9, $0xb8;
	[tilespmem:$0x16800] =	vst v63  }
0x146: {  	_ =	swait.ge [sflag:s13], $0xA000  }
0x147: {  	[sflag:s13] =	ssyncset.done $0x0  }
0x148: {  	[sflag:s13] =	ssyncadd.s32 $0xFFFF6000  }
0x149: {  	[tilespmem:s8], [sflag:$0x2] =	stream.indirect.gather [hbm4b:s3+s9], $0x40, s9, s9, $0xb8;
	[tilespmem:$0x16800] =	vst v63  }
0x14a: {  	_ = 	snop  }
0x14b: {  	[hbm4b:s24+s2] =	stream.linear.scatter [tilespmem:s10], [sflag:$0x3], $0xA000, $0x38;
	[tilespmem:$0x16800] =	vst v63  }
0x14c: {  	_ =	swait.ge [sflag:s11], $0xA000  }
0x14d: {  	[sflag:s11] =	ssyncset.done $0x0  }
0x14e: {  	[sflag:s11] =	ssyncadd.s32 $0xFFFF6000  }
0x14f: {  	_ =	swait.ge [sflag:s7], $0xA000  }
0x150: {  	[sflag:s7] =	ssyncset.done $0x0  }
0x151: {  	[sflag:s7] =	ssyncadd.s32 $0xFFFF6000  }
0x152: {  	[tilespmem:s10], [sflag:$0x1] =	stream.indirect.gather [hbm4b:s3+s9], $0x40, s30, s9, $0xb8;
	[tilespmem:$0x16800] =	vst v63  }
0x153: {  	s1 =	rddreg [dreg:$0x4]  }
0x154: {  	[hbm4b:s1+s2] =	stream.linear.scatter [tilespmem:s8], [sflag:$0x4], $0xA000, $0x38;
	[tilespmem:$0x16800] =	vst v63  }
0x155: {  	_ =	swait.ge [sflag:s13], $0xA000  }
0x156: {  	[sflag:s13] =	ssyncset.done $0x0  }
0x157: {  	[sflag:s13] =	ssyncadd.s32 $0xFFFF6000  }
0x158: {  	_ =	swait.ge [sflag:s6], $0xA000  }
0x159: {  	[sflag:s6] =	ssyncset.done $0x0  }
0x15a: {  	[sflag:s6] =	ssyncadd.s32 $0xFFFF6000  }
0x15b: {  	[tilespmem:s8], [sflag:$0x2] =	stream.indirect.gather [hbm4b:s3+s9], $0x40, s29, s9, $0xb8;
	[tilespmem:$0x16800] =	vst v63  }
0x15c: {  	s24 =	rddreg [dreg:$0x5]  }
0x15d: {  	[hbm4b:s24+s2] =	stream.linear.scatter [tilespmem:s10], [sflag:$0x3], $0xA000, $0x38;
	[tilespmem:$0x16800] =	vst v63  }
0x15e: {  	_ =	swait.ge [sflag:s11], $0xA000  }
0x15f: {  	[sflag:s11] =	ssyncset.done $0x0  }
0x160: {  	[sflag:s11] =	ssyncadd.s32 $0xFFFF6000  }
0x161: {  	_ =	swait.ge [sflag:s7], $0xA000  }
0x162: {  	[sflag:s7] =	ssyncset.done $0x0  }
0x163: {  	[sflag:s7] =	ssyncadd.s32 $0xFFFF6000  }
0x164: {  	[tilespmem:s10], [sflag:$0x1] =	stream.indirect.gather [hbm4b:s3+s9], $0x40, s28, s9, $0xb8;
	[tilespmem:$0x16800] =	vst v63  }
0x165: {  	s30 =	rddreg [dreg:$0x6]  }
0x166: {  	[hbm4b:s30+s2] =	stream.linear.scatter [tilespmem:s8], [sflag:$0x4], $0xA000, $0x38;
	[tilespmem:$0x16800] =	vst v63  }
0x167: {  	_ =	swait.ge [sflag:s13], $0xA000  }
0x168: {  	[sflag:s13] =	ssyncset.done $0x0  }
0x169: {  	[sflag:s13] =	ssyncadd.s32 $0xFFFF6000  }
0x16a: {  	_ =	swait.ge [sflag:s6], $0xA000  }
0x16b: {  	[sflag:s6] =	ssyncset.done $0x0  }
0x16c: {  	[sflag:s6] =	ssyncadd.s32 $0xFFFF6000  }
0x16d: {  	[tilespmem:s8], [sflag:$0x2] =	stream.indirect.gather [hbm4b:s3+s9], $0x40, s26, s9, $0xb8;
	[tilespmem:$0x16800] =	vst v63  }
0x16e: {  	s31 =	rddreg [dreg:$0x7]  }
0x16f: {  	[hbm4b:s31+s2] =	stream.linear.scatter [tilespmem:s10], [sflag:$0x3], $0xA000, $0x38;
	[tilespmem:$0x16800] =	vst v63  }
0x170: {  	_ =	swait.ge [sflag:s11], $0xA000  }
0x171: {  	[sflag:s11] =	ssyncset.done $0x0  }
0x172: {  	[sflag:s11] =	ssyncadd.s32 $0xFFFF6000  }
0x173: {  	_ =	swait.ge [sflag:s7], $0xA000  }
0x174: {  	[sflag:s7] =	ssyncset.done $0x0  }
0x175: {  	[sflag:s7] =	ssyncadd.s32 $0xFFFF6000  }
0x176: {  	[tilespmem:s10], [sflag:$0x1] =	stream.indirect.gather [hbm4b:s3+s9], $0x40, s25, s9, $0xb8;
	[tilespmem:$0x16800] =	vst v63  }
0x177: {  	s1 =	rddreg [dreg:$0x8]  }
0x178: {  	[hbm4b:s1+s2] =	stream.linear.scatter [tilespmem:s8], [sflag:$0x4], $0xA000, $0x38;
	[tilespmem:$0x16800] =	vst v63  }
0x179: {  	_ =	swait.ge [sflag:s13], $0xA000  }
0x17a: {  	[sflag:s13] =	ssyncset.done $0x0  }
0x17b: {  	[sflag:s13] =	ssyncadd.s32 $0xFFFF6000  }
0x17c: {  	_ =	swait.ge [sflag:s6], $0xA000  }
0x17d: {  	[sflag:s6] =	ssyncset.done $0x0  }
0x17e: {  	[sflag:s6] =	ssyncadd.s32 $0xFFFF6000  }
0x17f: {  	[tilespmem:s8], [sflag:$0x2] =	stream.indirect.gather [hbm4b:s3+s9], $0x40, s23, s9, $0xb8;
	[tilespmem:$0x16800] =	vst v63  }
0x180: {  	s24 =	rddreg [dreg:$0x9]  }
0x181: {  	[hbm4b:s24+s2] =	stream.linear.scatter [tilespmem:s10], [sflag:$0x3], $0xA000, $0x38;
	[tilespmem:$0x16800] =	vst v63  }
0x182: {  	_ =	swait.ge [sflag:s11], $0xA000  }
0x183: {  	[sflag:s11] =	ssyncset.done $0x0  }
0x184: {  	[sflag:s11] =	ssyncadd.s32 $0xFFFF6000  }
0x185: {  	_ =	swait.ge [sflag:s7], $0xA000  }
0x186: {  	[sflag:s7] =	ssyncset.done $0x0  }
0x187: {  	[sflag:s7] =	ssyncadd.s32 $0xFFFF6000  }
0x188: {  	[tilespmem:s10], [sflag:$0x1] =	stream.indirect.gather [hbm4b:s3+s9], $0x40, s22, s9, $0xb8;
	[tilespmem:$0x16800] =	vst v63  }
0x189: {  	s25 =	rddreg [dreg:$0xa]  }
0x18a: {  	[hbm4b:s25+s2] =	stream.linear.scatter [tilespmem:s8], [sflag:$0x4], $0xA000, $0x38;
	[tilespmem:$0x16800] =	vst v63  }
0x18b: {  	_ =	swait.ge [sflag:s13], $0xA000  }
0x18c: {  	[sflag:s13] =	ssyncset.done $0x0  }
0x18d: {  	[sflag:s13] =	ssyncadd.s32 $0xFFFF6000  }
0x18e: {  	_ =	swait.ge [sflag:s6], $0xA000  }
0x18f: {  	[sflag:s6] =	ssyncset.done $0x0  }
0x190: {  	[sflag:s6] =	ssyncadd.s32 $0xFFFF6000  }
0x191: {  	[tilespmem:s8], [sflag:$0x2] =	stream.indirect.gather [hbm4b:s3+s9], $0x40, s21, s9, $0xb8;
	[tilespmem:$0x16800] =	vst v63  }
0x192: {  	s26 =	rddreg [dreg:$0xb]  }
0x193: {  	[hbm4b:s26+s2] =	stream.linear.scatter [tilespmem:s10], [sflag:$0x3], $0xA000, $0x38;
	[tilespmem:$0x16800] =	vst v63  }
0x194: {  	_ =	swait.ge [sflag:s11], $0xA000  }
0x195: {  	[sflag:s11] =	ssyncset.done $0x0  }
0x196: {  	[sflag:s11] =	ssyncadd.s32 $0xFFFF6000  }
0x197: {  	_ =	swait.ge [sflag:s7], $0xA000  }
0x198: {  	[sflag:s7] =	ssyncset.done $0x0  }
0x199: {  	[sflag:s7] =	ssyncadd.s32 $0xFFFF6000  }
0x19a: {  	[tilespmem:s10], [sflag:$0x1] =	stream.indirect.gather [hbm4b:s3+s9], $0x40, s20, s9, $0xb8;
	[tilespmem:$0x16800] =	vst v63  }
0x19b: {  	s28 =	rddreg [dreg:$0xc]  }
0x19c: {  	[hbm4b:s28+s2] =	stream.linear.scatter [tilespmem:s8], [sflag:$0x4], $0xA000, $0x38;
	[tilespmem:$0x16800] =	vst v63  }
0x19d: {  	_ =	swait.ge [sflag:s13], $0xA000  }
0x19e: {  	[sflag:s13] =	ssyncset.done $0x0  }
0x19f: {  	[sflag:s13] =	ssyncadd.s32 $0xFFFF6000  }
0x1a0: {  	_ =	swait.ge [sflag:s6], $0xA000  }
0x1a1: {  	[sflag:s6] =	ssyncset.done $0x0  }
0x1a2: {  	[sflag:s6] =	ssyncadd.s32 $0xFFFF6000  }
0x1a3: {  	[tilespmem:s8], [sflag:$0x2] =	stream.indirect.gather [hbm4b:s3+s9], $0x40, s19, s9, $0xb8;
	[tilespmem:$0x16800] =	vst v63  }
0x1a4: {  	s29 =	rddreg [dreg:$0xd]  }
0x1a5: {  	[hbm4b:s29+s2] =	stream.linear.scatter [tilespmem:s10], [sflag:$0x3], $0xA000, $0x38;
	[tilespmem:$0x16800] =	vst v63  }
0x1a6: {  	_ =	swait.ge [sflag:s11], $0xA000  }
0x1a7: {  	[sflag:s11] =	ssyncset.done $0x0  }
0x1a8: {  	[sflag:s11] =	ssyncadd.s32 $0xFFFF6000  }
0x1a9: {  	_ =	swait.ge [sflag:s7], $0xA000  }
0x1aa: {  	[sflag:s7] =	ssyncset.done $0x0  }
0x1ab: {  	[sflag:s7] =	ssyncadd.s32 $0xFFFF6000  }
0x1ac: {  	[tilespmem:s10], [sflag:$0x1] =	stream.indirect.gather [hbm4b:s3+s9], $0x40, s18, s9, $0xb8;
	[tilespmem:$0x16800] =	vst v63  }
0x1ad: {  	s30 =	rddreg [dreg:$0xe]  }
0x1ae: {  	[hbm4b:s30+s2] =	stream.linear.scatter [tilespmem:s8], [sflag:$0x4], $0xA000, $0x38;
	[tilespmem:$0x16800] =	vst v63  }
0x1af: {  	_ =	swait.ge [sflag:s13], $0xA000  }
0x1b0: {  	[sflag:s13] =	ssyncset.done $0x0  }
0x1b1: {  	[sflag:s13] =	ssyncadd.s32 $0xFFFF6000  }
0x1b2: {  	_ =	swait.ge [sflag:s6], $0xA000  }
0x1b3: {  	[sflag:s6] =	ssyncset.done $0x0  }
0x1b4: {  	[sflag:s6] =	ssyncadd.s32 $0xFFFF6000  }
0x1b5: {  	[tilespmem:s8], [sflag:$0x2] =	stream.indirect.gather [hbm4b:s3+s9], $0x40, s17, s9, $0xb8;
	[tilespmem:$0x16800] =	vst v63  }
0x1b6: {  	_ = 	snop  }
0x1b7: {  	[hbm4b:s14+s2] =	stream.linear.scatter [tilespmem:s10], [sflag:$0x3], $0xA000, $0x38;
	[tilespmem:$0x16800] =	vst v63  }
0x1b8: {  	_ =	swait.ge [sflag:s11], $0xA000  }
0x1b9: {  	[sflag:s11] =	ssyncset.done $0x0  }
0x1ba: {  	[sflag:s11] =	ssyncadd.s32 $0xFFFF6000  }
0x1bb: {  	_ =	swait.ge [sflag:s7], $0xA000  }
0x1bc: {  	[sflag:s7] =	ssyncset.done $0x0  }
0x1bd: {  	[sflag:s7] =	ssyncadd.s32 $0xFFFF6000  }
0x1be: {  	[tilespmem:s10], [sflag:$0x1] =	stream.indirect.gather [hbm4b:s3+s9], $0x40, s16, s9, $0xb8;
	[tilespmem:$0x16800] =	vst v63  }
0x1bf: {  	_ = 	snop  }
0x1c0: {  	[hbm4b:s12+s2] =	stream.linear.scatter [tilespmem:s8], [sflag:$0x4], $0xA000, $0x38;
	[tilespmem:$0x16800] =	vst v63  }
0x1c1: {  	_ =	swait.ge [sflag:s13], $0xA000  }
0x1c2: {  	[sflag:s13] =	ssyncset.done $0x0  }
0x1c3: {  	[sflag:s13] =	ssyncadd.s32 $0xFFFF6000  }
0x1c4: {  	_ =	swait.ge [sflag:s6], $0xA000  }
0x1c5: {  	[sflag:s6] =	ssyncset.done $0x0  }
0x1c6: {  	[sflag:s6] =	ssyncadd.s32 $0xFFFF6000  }
0x1c7: {  	[tilespmem:s8], [sflag:$0x2] =	stream.indirect.gather [hbm4b:s3+s9], $0x40, s15, s9, $0xb8;
	[tilespmem:$0x16800] =	vst v63  }
0x1c8: {  	_ = 	snop  }
0x1c9: {  	[hbm4b:s5+s2] =	stream.linear.scatter [tilespmem:s10], [sflag:$0x3], $0xA000, $0x38;
	[tilespmem:$0x16800] =	vst v63  }
0x1ca: {  	_ =	swait.ge [sflag:s11], $0xA000  }
0x1cb: {  	[sflag:s11] =	ssyncset.done $0x0  }
0x1cc: {  	[sflag:s11] =	ssyncadd.s32 $0xFFFF6000  }
0x1cd: {  	[hbm4b:s4+s2] =	stream.linear.scatter [tilespmem:s8], [sflag:$0x4], $0xA000, $0x38;
	[tilespmem:$0x16800] =	vst v63  }
0x1ce: {  	_ =	swait.ge [sflag:s7], $0xA000  }
0x1cf: {  	[sflag:s7] =	ssyncset.done $0x0  }
0x1d0: {  	[sflag:s7] =	ssyncadd.s32 $0xFFFF6000  }
0x1d1: {  	_ =	swait.ge [sflag:s6], $0xA000  }
0x1d2: {  	[sflag:s6] =	ssyncset.done $0x0  }
0x1d3: {  	[sflag:s6] =	ssyncadd.s32 $0xFFFF6000  }
0x1d4: {  	_ =	sfence.sel $0x180000  }
0x1d5: {  	[bflag:$0x0] =	sbarrier.arrive $0xFFFF  }
0x1d6: {  	_ =	strace $0x90000047  }
0x1d7: {  	s31 =	stileid.u32;
	[bflag:$0x2] =	sbarrier.arrive $0xFFFF  }
0x1d8: {  	p0 =	sne.s32 s31, $0x0;
	s0 =	rddreg [dreg:$0x2]  }
0x1d9: {  	s0 =	sadd.s32 @!p0 $0x100000, s0  }
0x1da: {  	[sflag:s0] =	ssyncadd.tile.s32 @!p0 $0x1;
	_ =	shalt  }
.Lfunc_end2:
_tile_overlayer_lowered:
.L_overlay_start_2:
0x1db: {  	(tag) =	ssettag $0x2  }
0x1dc: {  	s0 =	rddreg [dreg:$0x0];
	s2 =	stileid.u32  }
0x1dd: {  	s1 =	rddreg [dreg:$0x1];
	p0 =	sne.s32 s2, $0x0  }
0x1de: {  	s3 =	rddreg [dreg:$0x2];
	[bflag:$0x3] =	sbarrier.arrive $0xFFFF;
	s2 =	simm.s32 @!p0 $0x1C05  }
0x1df: {  	[timem:s3], [sflag:s2] =	dma.local @!p0 [hbm:s0], s1  }
0x1e0: {  	s0 =	simm.s32 @!p0 $0x5  }
0x1e1: {  	_ =	swait.ge @!p0 [sflag:s0], s1  }
0x1e2: {  	s1 =	ssub.s32 @!p0 $0x0, s1;
	[sflag:s0] =	ssyncset.done @!p0 $0x0  }
0x1e3: {  	[sflag:s0] =	ssyncadd.s32 @!p0 s1  }
0x1e4: {  	[bflag:$0x3] =	sbarrier.arrive $0xFFFF  }
0x1e5: {  	_ =	shalt  }

// kernel: sparse-core-data-format-call.cloned.1.call-start
scs
called_computation_lowered:
.L_overlay_start_0:
0x0: {  	s2 =	sld [smem:$0x3FD9]  }
0x1: {  	s3 =	sld [smem:$0x3FFE];
	_ =	sdelay $0x1  }
0x2: {  	s1 =	srdreg.scid  }
0x3: {  	s0 =	sand.u32 $0x1, s1  }
0x4: {  	s18 =	sshll.u32 s0, $0xA;
	s2 =	sadd.s32 s3, s2  }
0x5: {  	s2 =	sadd.s32 s2, s18  }
0x6: {  	[smem:$0x3FC6] =	sst s2  }
0x7: {  	_ = 	snop  }
0x8: {  	s2 =	sld [smem:$0x3FD0];
	(tm) =	ssettm $0x1  }
0x9: {  	s19 =	sld [smem:$0x3FFB];
	_ =	sdelay $0x3  }
0xa: {  	_ =	strace s19  }
0xb: {  	s3 =	sld [smem:$0x3FFC];
	_ =	sdelay $0x3  }
0xc: {  	_ =	strace s3  }
0xd: {  	s3 =	sld [smem:$0x3FFD];
	_ =	sdelay $0x3  }
0xe: {  	_ =	strace s3  }
0xf: {  	_ =	strace $0x8FFFFFFF  }
0x10: {  	s20 =	sld [smem:$0x3FDB];
	_ =	sdelay $0x1  }
0x11: {  	s4 =	simm.s32 $_scs_section_size  }
0x12: {  	s5 =	simm.s32 $_size__tile_overlayer_lowered;
	s6 =	simm.s32 $_tile_overlayer_lowered  }
0x13: {  	s23 =	simm.s32 $0x1BFF;
	s22 =	sshll.u32 s6, $0x1;
	s3 =	sadd.s32 s4, s20  }
0x14: {  	s7 =	simm.s32 $0x0;
	s21 =	sshll.u32 s5, $0x1;
	s5 =	sadd.s32 s22, s3  }
0x15: {  	[timem:s7], [sflag:s23] =	dma.local [hbm:s5], s21  }
0x16: {  	_ =	swait.ge [sflag:s23], s21  }
0x17: {  	s4 =	ssub.s32 $0x0, s21;
	[sflag:s23] =	ssyncset.done $0x0  }
0x18: {  	[sflag:s23] =	ssyncadd.s32 s4;
	_ =	sdelay $0x1  }
0x19: {  	s24 =	simm.s32 $0x1B8B  }
0x1a: {  	_ =	swait.ge [sflag:s24], $0x1  }
0x1b: {  	[sflag:s24] =	ssyncset.done $0x0  }
0x1c: {  	s26 =	simm.s32 $0x1B8E;
	s25 =	sld [smem:$0x3FFE];
	[sflag:s24] =	ssyncadd.s32 $0xFFFFFFFF  }
0x1d: {  	s27 =	simm.s32 $execute0_lowered;
	[smem:$0x3FD2] =	sst s26  }
0x1e: {  	s5 =	sshll.u32 s27, $0x1;
	_ =	strace $0x80000049;
	[dreg:$0x1] =	wrdreg $0xFFFFFFFF  }
0x1f: {  	s28 =	simm.s32 $_size_execute0_lowered;
	s3 =	sadd.s32 s3, s5;
	[dreg:$0x0] =	wrdreg $0x0  }
0x20: {  	s5 =	sshll.u32 s28, $0x1;
	[dreg:$0x2] =	wrdreg s3  }
0x21: {  	[dreg:$0x3] =	wrdreg s5  }
0x22: {  	[dreg:$0x4] =	wrdreg $0xC0  }
0x23: {  	_ =	task [dreg:s7], $0x5FFFF  }
0x24: {  	[dreg:$0x1] =	wrdreg $0xFFFFFFFF  }
0x25: {  	[dreg:$0x0] =	wrdreg $0x60  }
0x26: {  	[dreg:$0x2] =	wrdreg s25  }
0x27: {  	[dreg:$0x3] =	wrdreg s2  }
0x28: {  	[dreg:$0x4] =	wrdreg $0x9  }
0x29: {  	_ =	task.clear_ibuf [dreg:s7], $0x5FFFF;
	_ =	strace $0x90000049  }
0x2a: {  	s29 =	simm.s32 $0x9;
	_ =	strace $0x8000004B  }
0x2b: {  	_ =	swait.ge [sflag:s29], $0x1  }
0x2c: {  	[sflag:s29] =	ssyncadd.s32 $0xFFFFFFFF  }
0x2d: {  	_ =	strace $0x9000004B  }
0x2e: {  	_ =	sfence  }
0x2f: {  	s30 =	sld [smem:$0x0];
	_ =	sdelay $0x2  }
0x30: {  	s31 =	sshll.u32 s1, $0xD;
	s1 =	sshrl.u32 s1, $0x2  }
0x31: {  	s3 =	sand.u32 $0x4000, s31;
	s1 =	sadd.s32 s1, s30  }
0x32: {  	s0 =	sor.u32 s3, s0;
	s1 =	sshll.u32 s1, $0x11  }
0x33: {  	s0 =	sor.u32 s1, s0  }
0x34: {  	s0 =	sadd.s32 $0x8F2B, s0  }
0x35: {  	[sflag:s0] =	ssyncadd.remote.s32 $0x1  }
0x36: {  	_ =	sfence.sel $0xFFFF  }
0x37: {  	[dreg:$0x0] =	wrdreg $0xFFFFFFFF;
	(pc) =	sbr.abs _section_cstart, $3  }
0x38: {  	[dreg:$0x1] =	wrdreg $0xFFFFFFFF  }
0x39: {  	_ =	task.clear_ibuf [dreg:s7], $0x2FFFF;
	_ =	strace $0x9FFFFFFF  }
0x3a: {  	(tm) =	ssettm $0x7FFFFFFF  }
0x3b: {  	_ =	shalt  }
tec
execute0_lowered:
.L_overlay_start_1:
0x0: {  	(tag) =	ssettag $0x1  }
0x1: {  	s0 =	srdreg.scid  }
0x2: {  	s1 =	sshll.u32 s0, $0x4  }
0x3: {  	s0 =	stileid.u32;
	s1 =	sand.u32 $0x10, s1  }
0x4: {  	s1 =	sor.u32 s0, s1  }
0x5: {  	s6 =	rddreg [dreg:$0x0];
	s4 =	simm.s32 $0x1;
	s2 =	sshll.u32 s1, $0x7  }
0x6: {  	s7 =	simm.s32 $0x2;
	s12 =	simm.s32 $0x0;
	s1 =	ssub.s32 $0x4000, s2  }
0x7: {  	s8 =	simm.s32 $0x20000;
	s13 =	simm.s32 $0x0;
	s3 =	sand.u32 $0xF80, s1  }
0x8: {  	s9 =	simm.s32 $0x0;
	s5 =	sshrl.u32 s1, $0xC;
	p0 =	sne.s32 s3, $0x0  }
.Ltmp0:
0x9: {  	s1 =	rddreg [dreg:$0x2];
	s4 =	simm.s32 @!p0 $0x0;
	(pc) =	sbr.rel .LBB1_1-.Ltmp0, $4  }
0xa: {  	s11 =	simm.s32 $0x0;
	s3 =	rddreg [dreg:$0x1];
	s5 =	sadd.s32 s4, s5  }
0xb: {  	_ =	strace $0x8000004A;
	s4 =	simm.s32 $0x1;
	s5 =	smul.u32 $0x14, s5  }
0xc: {  	s6 =	sadd.s32 $0xA00, s6;
	s10 =	smov.u32 s2;
	[sflag:s4] =	ssyncpa.u1 $0x0  }
0xd: {  	p0 =	por $0x0, $0x0;
	[sflag:s7] =	ssyncpa.u1 $0x0;
	s7 =	sor.u32 $0x1, s5  }
.LBB1_4:
0xe: {  	s16 =	sshll.u32 s13, $0x3;
	s17 =	sand.u32 $0x78, s13  }
0xf: {  	s30 =	sand.u32 $0x1F800, s13;
	s12 =	sshll.u32 s12, $0x11;
	s16 =	sand.u32 $0x3C00, s16  }
0x10: {  	[tilespmem:s15+$0x810 ss:$0x81] =	vst.msk $0xffff, v2;
	s31 =	sand.u32 $0x7, s13;
	s16 =	sor.u32 s17, s16;
	s17 =	sadd.s32 s3, s30  }
0x11: {  	[tilespmem:s15+$0x1020 ss:$0x81] =	vst.msk $0xffff, v0;
	s13 =	sshll.u32 s31, $0x12;
	s12 =	sadd.s32 s12, s17;
	s16 =	sshrl.u32 s16, $0x3  }
0x12: {  	[tilespmem:s15+$0x0 ss:$0x81] =	vst.msk $0xffff, v1;
	s13 =	sor.u32 $0x400, s13;
	s12 =	sadd.s32 s16, s12  }
0x13: {  	[hbm4b:s12+s13] =	stream.strided.scatter [tilespmem:s14], [sflag:$0x2], $0x2000, s8, s13, $0x20;
	[tilespmem:$0x8080] =	vst v63  }
.LBB1_5:
0x14: {  	s14 =	sadd.s32 $0x1, s9  }
0x15: {  	s12 =	sadd.s32 $0x1000, s10;
	s16 =	smov.u32 s10;
	p2 =	sgt.s32 s14, $0x13  }
0x16: {  	s16 =	smov.u32 @p2 s12  }
0x17: {  	s14 =	simm.s32 @p2 $0x0;
	p2 =	sgt.s32 s16, $0x3FFF  }
0x18: {  	s16 =	smov.u32 @p2 s2;
	p2 =	sne.s32 s11, s7  }
.Ltmp1:
0x19: {  	p1 =	slt.u32 s11, $0x2;
	(pc) =	sbr.rel @!p2 .LBB1_6-.Ltmp1, $4  }
0x1a: {  	s15 =	simm.s32 @!p1 $0x2  }
0x1b: {  	s13 =	smov.u32 s10;
	p0 =	por !p0, !p0;
	_ =	swait.ge @!p1 [sflag:s15], $0x2000  }
0x1c: {  	s12 =	smov.u32 s9;
	[sflag:s15] =	ssyncset.done @!p1 $0x0;
	s9 =	smov.u32 s14  }
0x1d: {  	s11 =	sadd.s32 $0x1, s11;
	[sflag:s15] =	ssyncadd.s32 @!p1 $0xFFFFE000;
	s10 =	smov.u32 s16  }
.LBB1_1:
0x1e: {  	p1 =	sge.u32 s11, s5  }
0x1f: {  	s14 =	sand.u32 @!p1 $0x1FFFFFF, s9  }
0x20: {  	s15 =	smulhi.u32 @!p1 $0xAAAAAAB, s14;
	_ =	sdelay $0x1  }
0x21: {  	s15 =	smul.u32 @!p1 $0x18, s15  }
0x22: {  	s16 =	sxor.u32 @!p1 $0xFFFFFFFF, s11;
	s17 =	smul.u32 @!p1 $0x180, s10  }
0x23: {  	s31 =	sadd.s32 $0xFFFFFFFF, s11;
	s16 =	sshll.u32 @!p1 s16, $0xD;
	s14 =	ssub.s32 @!p1 s14, s15  }
0x24: {  	s15 =	sand.u32 @!p1 $0x2000, s16;
	s16 =	sadd.s32 @!p1 s6, s17;
	s14 =	sshll.u32 @!p1 s14, $0x4  }
0x25: {  	s17 =	simm.s32 @!p1 $0xC00;
	s14 =	sadd.s32 @!p1 s14, s16;
	s16 =	simm.s32 @!p1 $0x40  }
0x26: {  	[tilespmem:s15], [sflag:$0x1] =	stream.strided.gather @!p1 [hbm4b:s14+s16], $0x2000, s17, s16, $0x38;
	[tilespmem:$0x8080] =	vst v63  }
0x27: {  	p1 =	sge.u32 s31, s5  }
.Ltmp2:
0x28: {  	_ = 	snop;
	(pc) =	sbr.rel @p1 .LBB1_5-.Ltmp2, $1  }
0x29: {  	_ =	sdelay $0x3  }
0x2a: {  	s14 =	simm.s32 $0x1  }
0x2b: {  	_ =	swait.ge [sflag:s4], $0x2000;
	s14 =	simm.s32 @!p0 $0x0  }
0x2c: {  	[sflag:s4] =	ssyncset.done $0x0;
	s15 =	sshll.u32 s14, $0xD  }
0x2d: {  	[sflag:s4] =	ssyncadd.s32 $0xFFFFE000;
	s18 =	sor.u32 $0x20, s15  }
0x2e: {  	s14 =	smul.u32 $0x8100, s14;
	v3 =	vld [tilespmem:s18+$0x10]  }
0x2f: {  	s30 =	sand.u32 $0x1, s11;
	v2 =	vld [tilespmem:s18+$0xFFFFFFF0]  }
0x30: {  	s15 =	smul.u32 $0x8100, s30;
	s14 =	sshrl.u32 s14, $0x2;
	v0 =	vld [tilespmem:s18+$0x0]  }
0x31: {  	v1 =	vld [tilespmem:s18+$0xFFFFFFE0];
	s16 =	sor.u32 $0x4000, s14  }
0x32: {  	s31 =	sshrl.u32 s15, $0x2;
	s15 =	sadd.s32 $0x0, s16  }
0x33: {  	s17 =	simm.s32 $0x4;
	s18 =	sadd.s32 $0x40, s18;
	s14 =	sor.u32 $0x4000, s31;
	[tilespmem:s15+$0x1830 ss:$0x81] =	vst.msk $0xffff, v3  }
.LBB1_3:
0x34: {  	v3 =	vld [tilespmem:s18+$0x10];
	p1 =	sne.s32 s17, $0x1FC;
	[tilespmem:s15+$0x810 ss:$0x81] =	vst.msk $0xffff, v2;
	s19 =	smov.u32 s17;
	s17 =	sadd.s32 $0x4, s17  }
.Ltmp3:
0x35: {  	v2 =	vld [tilespmem:s18+$0xFFFFFFF0];
	[tilespmem:s15+$0x1020 ss:$0x81] =	vst.msk $0xffff, v0;
	(pc) =	sbr.rel @p1 .LBB1_3-.Ltmp3, $4  }
0x36: {  	v0 =	vld [tilespmem:s18+$0x0];
	[tilespmem:s15+$0x0 ss:$0x81] =	vst.msk $0xffff, v1  }
0x37: {  	s15 =	sshra.s32 s19, $0x2;
	v1 =	vld [tilespmem:s18+$0xFFFFFFE0]  }
0x38: {  	s15 =	sadd.s32 s15, s16  }
0x39: {  	s18 =	sadd.s32 $0x40, s18;
	[tilespmem:s15+$0x1830 ss:$0x81] =	vst.msk $0xffff, v3  }
.Ltmp4:
0x3a: {  	_ = 	snop;
	(pc) =	sbr.rel .LBB1_4-.Ltmp4, $1  }
0x3b: {  	_ =	sdelay $0x3  }
.LBB1_6:
0x3c: {  	_ =	sfence.sel $0x180000  }
0x3d: {  	s2 =	simm.s32 $0x1;
	[bflag:$0x0] =	sbarrier.arrive $0xFFFF  }
0x3e: {  	s31 =	simm.s32 $0x2;
	[sflag:s2] =	ssyncpa.u1 $0x1  }
0x3f: {  	[sflag:s31] =	ssyncpa.u1 $0x1  }
0x40: {  	p0 =	sne.s32 s0, $0x0;
	_ =	strace $0x9000004A  }
0x41: {  	s0 =	sadd.s32 @!p0 $0x100000, s1;
	[bflag:$0x2] =	sbarrier.arrive $0xFFFF  }
0x42: {  	[sflag:s0] =	ssyncadd.tile.s32 @!p0 $0x1;
	_ =	shalt  }
.Lfunc_end1:
_tile_overlayer_lowered:
.L_overlay_start_2:
0x43: {  	(tag) =	ssettag $0x2  }
0x44: {  	s0 =	rddreg [dreg:$0x0];
	s2 =	stileid.u32  }
0x45: {  	s1 =	rddreg [dreg:$0x1];
	p0 =	sne.s32 s2, $0x0  }
0x46: {  	s3 =	rddreg [dreg:$0x2];
	[bflag:$0x3] =	sbarrier.arrive $0xFFFF;
	s2 =	simm.s32 @!p0 $0x1C01  }
0x47: {  	[timem:s3], [sflag:s2] =	dma.local @!p0 [hbm:s0], s1  }
0x48: {  	s0 =	simm.s32 @!p0 $0x1  }
0x49: {  	_ =	swait.ge @!p0 [sflag:s0], s1  }
0x4a: {  	s1 =	ssub.s32 @!p0 $0x0, s1;
	[sflag:s0] =	ssyncset.done @!p0 $0x0  }
0x4b: {  	[sflag:s0] =	ssyncadd.s32 @!p0 s1  }
0x4c: {  	[bflag:$0x3] =	sbarrier.arrive $0xFFFF  }
0x4d: {  	_ =	shalt  }

</sc_bundles>
